<compile_context>
chip_gen: v7x
topology: tpu7x:2x2x1
jax: 0.10.2.dev20260603
libtpu: 0.0.44.dev20260713+nightly
codegen_flags: <defaults>
</compile_context>

<pallas_src>
import functools
import jax
import jax.numpy as jnp
from jax import lax
from jax.experimental import pallas as pl
from jax.experimental import layout as _layout
from jax.experimental.pallas import tpu as pltpu, tpu_sc as plsc

_NUM_CODEBOOKS = 8
_VOCAB = 100000
_D = 64
_W = 128
_N = 1024 * 50 * 8
_NC, _NS, _L = 2, 16, 16
_NW = _NC * _NS
_N_PER_W = _N // _NW
_CHUNK = 64
_NCHUNK = _N_PER_W // _CHUNK
_NBUF = 5
_NGRP = _NCHUNK // _NBUF


def _make_gather():
    mesh = plsc.VectorSubcoreMesh(core_axis_name="c", subcore_axis_name="s")

    @functools.partial(
        pl.kernel,
        mesh=mesh,
        out_type=jax.ShapeDtypeStruct((_N, _W), jnp.float32),
        compiler_params=pltpu.CompilerParams(needs_layout_passes=False),
        scratch_types=[
            pltpu.VMEM((_NCHUNK, _CHUNK), jnp.int32),
            pltpu.VMEM((2, _NBUF, _CHUNK, _W), jnp.float32),
            pltpu.SemaphoreType.DMA,
            pltpu.SemaphoreType.DMA,
        ],
    )
    def gather_kernel(tok_hbm, table_hbm, out_hbm, idx_v, rows_v, sem_g, sem_s):
        wid = lax.axis_index("s") * _NC + lax.axis_index("c")
        base = wid * _N_PER_W

        pltpu.sync_copy(tok_hbm.at[wid], idx_v)

        offs = (lax.iota(jnp.int32, 16) % _NUM_CODEBOOKS) * _VOCAB

        def add_offsets(j, _):
            for l in range(_CHUNK // _L):
                sl = pl.ds(l * _L, _L)
                idx_v[j, sl] = idx_v[j, sl] + offs
            return 0

        lax.fori_loop(0, _NCHUNK, add_offsets, 0)

        def gather_copy(j, p, b):
            return pltpu.make_async_copy(
                table_hbm.at[idx_v.at[j]], rows_v.at[p, b], sem_g)

        def store_copy(j, p, b):
            return pltpu.make_async_copy(
                rows_v.at[p, b], out_hbm.at[pl.ds(base + j * _CHUNK, _CHUNK)],
                sem_s)

        for b in range(_NBUF):
            gather_copy(b, 0, b).start()

        def group(g, _):
            p = g % 2

            @pl.when(g >= 1)
            def _():
                for b in range(_NBUF):
                    store_copy((g - 1) * _NBUF + b, 1 - p, b).wait()

            @pl.when(g + 1 < _NGRP)
            def _():
                for b in range(_NBUF):
                    gather_copy((g + 1) * _NBUF + b, 1 - p, b).start()

            for b in range(_NBUF):
                j = g * _NBUF + b
                gather_copy(j, p, b).wait()
                store_copy(j, p, b).start()
            return 0

        lax.fori_loop(0, _NGRP, group, 0)

        for b in range(_NBUF):
            store_copy((_NGRP - 1) * _NBUF + b, (_NGRP - 1) % 2, b).wait()

    return gather_kernel


_gather = _make_gather()


@jax.jit
def kernel(in_tokens, embedding_weight):
    tok_flat = in_tokens.reshape(_NW, _NCHUNK, _CHUNK)
    table_wide = jnp.pad(embedding_weight, ((0, 0), (0, _W - _D)))
    out = _gather(tok_flat, table_wide)
    final = out.reshape(1024, 50, _NUM_CODEBOOKS, _W)[..., :_D]
    return _layout.with_layout_constraint(
        final,
        _layout.Layout(major_to_minor=(0, 1, 2, 3), tiling=((8, 128),)))

# --- scband reference (transcript-rebuilt; emitter-appended) ---
"""Pipeline reference for scband-discrete-embedding-layer-5411658793410 (READ-ONLY COPY).

The authoritative reference and input builder live on the scoring server;
editing this copy changes nothing except your own understanding.
"""

import jax, jax.numpy as jnp
import numpy as np

NUM_CODEBOOKS = 8
VOCAB_SIZE = 100000
EMB_DIM = 64
B, T = 1024, 50

def setup_inputs(seed: int = 0) -> dict:
    key = jax.random.key(seed)
    k1, k2 = jax.random.split(key)
    in_tokens = jax.random.randint(k1, (B, T, NUM_CODEBOOKS), 0, VOCAB_SIZE, dtype=jnp.int32)
    embedding_weight = jax.random.normal(k2, (NUM_CODEBOOKS * VOCAB_SIZE, EMB_DIM), dtype=jnp.float32)
    return {"in_tokens": in_tokens, "embedding_weight": embedding_weight}

def reference(in_tokens, embedding_weight):
    # Offset each codebook's tokens into its own slice of the flattened table,
    # mirroring: in_tokens += arange(0, num_codebooks*vocab_size, vocab_size)
    offsets = jnp.arange(0, NUM_CODEBOOKS * VOCAB_SIZE, VOCAB_SIZE, dtype=in_tokens.dtype)
    shifted = in_tokens + offsets  # broadcast over last dim [B, T, num_codebooks]
    in_embs = jnp.take(embedding_weight, shifted, axis=0)  # [B, T, num_codebooks, emb_dim]
    return in_embs

if __name__ == "__main__":
    import jax
    _d = setup_inputs()
    print(jax.jit(kernel)(*tuple(_d.values())))

</pallas_src>

<mosaic_0001>
#map = affine_map<(d0, d1) -> (0, 0, 0)>
#map1 = affine_map<(d0, d1) -> (0, 0)>
module attributes {stable_mosaic.version = 14 : i64} {
  func.func @gather_kernel(%arg0: i32, %arg1: i32, %arg2: memref<32x200x64xi32, #tpu.memory_space<hbm>>, %arg3: memref<800000x128xf32, #tpu.memory_space<hbm>>, %arg4: memref<409600x128xf32, #tpu.memory_space<hbm>>, %arg5: memref<200x64xi32, #tpu.memory_space<vmem>>, %arg6: memref<2x5x64x128xf32, #tpu.memory_space<vmem>>, %arg7: memref<!tpu.dma_semaphore, #tpu.memory_space<semaphore_mem>>, %arg8: memref<!tpu.dma_semaphore, #tpu.memory_space<semaphore_mem>>) attributes {dimension_semantics = [#tpu.dimension_semantics<core_parallel>, #tpu.dimension_semantics<subcore_parallel>], iteration_bounds = array<i64: 2, 16>, scalar_prefetch = 0 : i64, scratch_operands = 4 : i64, tpu.core_type = #tpu.core_type<sc_vector_subcore>, window_params = [{transform_indices = #map}, {transform_indices = #map1}, {transform_indices = #map1}]} {
    %mul3A = arith.constant 2 : i32
    %mul3A_0 = arith.muli %arg1, %mul3A : i32
    %add3A = arith.addi %mul3A_0, %arg0 : i32
    %mul3A_1 = arith.constant 12800 : i32
    %mul3A_2 = arith.muli %add3A, %mul3A_1 : i32
    "tpu.region"() ({
      %run_scoped3A = tpu.sem_alloc : memref<!tpu.dma_semaphore, #tpu.memory_space<semaphore_mem>>
      %dma_start3A_177 = arith.constant 0 : i32
      %dma_start3A_178 = arith.constant 0 : i32
      %dma_start3A_179 = tpu.memref_slice %arg2[%add3A, %dma_start3A_177, %dma_start3A_178] : memref<32x200x64xi32, #tpu.memory_space<hbm>> -> memref<1x200x64xi32, #tpu.memory_space<hbm>>
      %dma_start3A_180 = tpu.memref_squeeze %dma_start3A_179 : memref<1x200x64xi32, #tpu.memory_space<hbm>> -> memref<200x64xi32, #tpu.memory_space<hbm>>
      %dma_start3A_181 = arith.constant 0 : i32
      %dma_start3A_182 = arith.constant 0 : i32
      %dma_start3A_183 = tpu.memref_slice %arg2[%add3A, %dma_start3A_181, %dma_start3A_182] : memref<32x200x64xi32, #tpu.memory_space<hbm>> -> memref<1x200x64xi32, #tpu.memory_space<hbm>>
      %dma_start3A_184 = tpu.memref_squeeze %dma_start3A_183 : memref<1x200x64xi32, #tpu.memory_space<hbm>> -> memref<200x64xi32, #tpu.memory_space<hbm>>
      tpu.enqueue_dma source(%dma_start3A_184 : memref<200x64xi32, #tpu.memory_space<hbm>>) target(%arg5 : memref<200x64xi32, #tpu.memory_space<vmem>>) target_semaphore(%run_scoped3A : memref<!tpu.dma_semaphore, #tpu.memory_space<semaphore_mem>>)
      %dma_wait3A_185 = arith.constant 0 : i32
      %dma_wait3A_186 = arith.constant 0 : i32
      %dma_wait3A_187 = tpu.memref_slice %arg2[%add3A, %dma_wait3A_185, %dma_wait3A_186] : memref<32x200x64xi32, #tpu.memory_space<hbm>> -> memref<1x200x64xi32, #tpu.memory_space<hbm>>
      %dma_wait3A_188 = tpu.memref_squeeze %dma_wait3A_187 : memref<1x200x64xi32, #tpu.memory_space<hbm>> -> memref<200x64xi32, #tpu.memory_space<hbm>>
      %dma_wait3A_189 = arith.constant 0 : i32
      %dma_wait3A_190 = arith.constant 0 : i32
      %dma_wait3A_191 = tpu.memref_slice %arg2[%add3A, %dma_wait3A_189, %dma_wait3A_190] : memref<32x200x64xi32, #tpu.memory_space<hbm>> -> memref<1x200x64xi32, #tpu.memory_space<hbm>>
      %dma_wait3A_192 = tpu.memref_squeeze %dma_wait3A_191 : memref<1x200x64xi32, #tpu.memory_space<hbm>> -> memref<200x64xi32, #tpu.memory_space<hbm>>
      tpu.wait_dma2 semaphore(%run_scoped3A : memref<!tpu.dma_semaphore, #tpu.memory_space<semaphore_mem>>) src(%dma_wait3A_192 : memref<200x64xi32, #tpu.memory_space<hbm>>) dst(%arg5 : memref<200x64xi32, #tpu.memory_space<vmem>>)
      tpu.yield
    }) : () -> ()
    %iota3A = tpu.iota {dimensions = array<i32: 0>} : vector<16xi32>
    %jit3A = arith.constant 8 : i32
    %eq3A = arith.constant 0 : i32
    %eq3A_3 = arith.cmpi eq, %jit3A, %eq3A : i32
    %jit3A_4 = arith.constant 1 : i32
    %select_n3A = arith.select %eq3A_3, %jit3A_4, %jit3A : i32
    %rem3A = vector.broadcast %select_n3A : i32 to vector<16xi32>
    %rem3A_5 = arith.remsi %iota3A, %rem3A : vector<16xi32>
    %ne3A = arith.constant 0 : i32
    %ne3A_6 = vector.broadcast %ne3A : i32 to vector<16xi32>
    %ne3A_7 = arith.cmpi ne, %rem3A_5, %ne3A_6 : vector<16xi32>
    %lt3A = arith.constant 0 : i32
    %lt3A_8 = vector.broadcast %lt3A : i32 to vector<16xi32>
    %lt3A_9 = arith.cmpi slt, %rem3A_5, %lt3A_8 : vector<16xi32>
    %lt3A_10 = arith.constant 0 : i32
    %lt3A_11 = arith.cmpi slt, %select_n3A, %lt3A_10 : i32
    %ne3A_12 = vector.broadcast %lt3A_11 : i1 to vector<16xi1>
    %ne3A_13 = vector.broadcast %ne3A_12 : vector<16xi1> to vector<16xi1>
    %ne3A_14 = arith.xori %lt3A_9, %ne3A_13 : vector<16xi1>
    %and3A = arith.andi %ne3A_14, %ne3A_7 : vector<16xi1>
    %add3A_15 = vector.broadcast %select_n3A : i32 to vector<16xi32>
    %add3A_16 = arith.addi %rem3A_5, %add3A_15 : vector<16xi32>
    %select_n3A_17 = arith.select %and3A, %add3A_16, %rem3A_5 : vector<16xi1>, vector<16xi32>
    %mul3A_18 = arith.constant 100000 : i32
    %mul3A_19 = vector.broadcast %mul3A_18 : i32 to vector<16xi32>
    %mul3A_20 = arith.muli %select_n3A_17, %mul3A_19 : vector<16xi32>
    %scan3A = arith.constant 0 : i32
    %scan3A_21 = arith.constant 0 : i32
    %scan3A_22 = arith.constant 200 : i32
    %scan3A_23 = arith.addi %scan3A_21, %scan3A_22 : i32
    %scan3A_24 = arith.constant 1 : i32
    %scan3A_25 = scf.for %scan3A_177 = %scan3A_21 to %scan3A_23 step %scan3A_24 iter_args(%scan3A_178 = %scan3A) -> (i32)  : i32 {
      %get3A = arith.index_cast %scan3A_177 : i32 to index
      %get3A_179 = arith.constant 0 : index
      %get3A_180 = tpu.vector_load %arg5[%get3A, %get3A_179] {strides = array<i32>} : memref<200x64xi32, #tpu.memory_space<vmem>>, vector<16xi32>,
      %add3A_181 = arith.addi %get3A_180, %mul3A_20 : vector<16xi32>
      %swap3A = arith.index_cast %scan3A_177 : i32 to index
      %swap3A_182 = arith.constant 0 : index
      %swap3A_183 = tpu.vector_load %arg5[%swap3A, %swap3A_182] {strides = array<i32>} : memref<200x64xi32, #tpu.memory_space<vmem>>, vector<16xi32>,
      tpu.vector_store %arg5[%swap3A, %swap3A_182], %add3A_181 {strides = array<i32>} : memref<200x64xi32, #tpu.memory_space<vmem>>, vector<16xi32>,
      %get3A_184 = arith.index_cast %scan3A_177 : i32 to index
      %get3A_185 = arith.constant 16 : index
      %get3A_186 = tpu.vector_load %arg5[%get3A_184, %get3A_185] {strides = array<i32>} : memref<200x64xi32, #tpu.memory_space<vmem>>, vector<16xi32>,
      %add3A_187 = arith.addi %get3A_186, %mul3A_20 : vector<16xi32>
      %swap3A_188 = arith.index_cast %scan3A_177 : i32 to index
      %swap3A_189 = arith.constant 16 : index
      %swap3A_190 = tpu.vector_load %arg5[%swap3A_188, %swap3A_189] {strides = array<i32>} : memref<200x64xi32, #tpu.memory_space<vmem>>, vector<16xi32>,
      tpu.vector_store %arg5[%swap3A_188, %swap3A_189], %add3A_187 {strides = array<i32>} : memref<200x64xi32, #tpu.memory_space<vmem>>, vector<16xi32>,
      %get3A_191 = arith.index_cast %scan3A_177 : i32 to index
      %get3A_192 = arith.constant 32 : index
      %get3A_193 = tpu.vector_load %arg5[%get3A_191, %get3A_192] {strides = array<i32>} : memref<200x64xi32, #tpu.memory_space<vmem>>, vector<16xi32>,
      %add3A_194 = arith.addi %get3A_193, %mul3A_20 : vector<16xi32>
      %swap3A_195 = arith.index_cast %scan3A_177 : i32 to index
      %swap3A_196 = arith.constant 32 : index
      %swap3A_197 = tpu.vector_load %arg5[%swap3A_195, %swap3A_196] {strides = array<i32>} : memref<200x64xi32, #tpu.memory_space<vmem>>, vector<16xi32>,
      tpu.vector_store %arg5[%swap3A_195, %swap3A_196], %add3A_194 {strides = array<i32>} : memref<200x64xi32, #tpu.memory_space<vmem>>, vector<16xi32>,
      %get3A_198 = arith.index_cast %scan3A_177 : i32 to index
      %get3A_199 = arith.constant 48 : index
      %get3A_200 = tpu.vector_load %arg5[%get3A_198, %get3A_199] {strides = array<i32>} : memref<200x64xi32, #tpu.memory_space<vmem>>, vector<16xi32>,
      %add3A_201 = arith.addi %get3A_200, %mul3A_20 : vector<16xi32>
      %swap3A_202 = arith.index_cast %scan3A_177 : i32 to index
      %swap3A_203 = arith.constant 48 : index
      %swap3A_204 = tpu.vector_load %arg5[%swap3A_202, %swap3A_203] {strides = array<i32>} : memref<200x64xi32, #tpu.memory_space<vmem>>, vector<16xi32>,
      tpu.vector_store %arg5[%swap3A_202, %swap3A_203], %add3A_201 {strides = array<i32>} : memref<200x64xi32, #tpu.memory_space<vmem>>, vector<16xi32>,
      %scan3A_205 = arith.constant 0 : i32
      scf.yield %scan3A_205 : i32
    }
    %scan3A_26 = arith.constant 200 : i32
    %dma_start3A = arith.constant 0 : i32
    %dma_start3A_27 = arith.constant 0 : i32
    %dma_start3A_28 = arith.constant 0 : i32
    %dma_start3A_29 = arith.constant 0 : i32
    %dma_start3A_30 = arith.constant 0 : i32
    %dma_start3A_31 = tpu.memref_slice %arg6[%dma_start3A_27, %dma_start3A_28, %dma_start3A_29, %dma_start3A_30] : memref<2x5x64x128xf32, #tpu.memory_space<vmem>> -> memref<1x1x64x128xf32, #tpu.memory_space<vmem>>
    %dma_start3A_32 = tpu.memref_squeeze %dma_start3A_31 : memref<1x1x64x128xf32, #tpu.memory_space<vmem>> -> memref<64x128xf32, #tpu.memory_space<vmem>>
    %dma_start3A_33 = arith.constant 0 : i32
    %dma_start3A_34 = tpu.memref_slice %arg5[%dma_start3A, %dma_start3A_33] : memref<200x64xi32, #tpu.memory_space<vmem>> -> memref<1x64xi32, #tpu.memory_space<vmem>>
    %dma_start3A_35 = tpu.memref_squeeze %dma_start3A_34 : memref<1x64xi32, #tpu.memory_space<vmem>> -> memref<64xi32, #tpu.memory_space<vmem>>
    %dma_start3A_36 = arith.constant 0 : i32
    %dma_start3A_37 = arith.constant 0 : i32
    %dma_start3A_38 = tpu.memref_slice %arg3[%dma_start3A_36, %dma_start3A_37] : memref<800000x128xf32, #tpu.memory_space<hbm>> -> memref<800000x128xf32, #tpu.memory_space<hbm>>
    tpu.enqueue_indirect_dma source(%dma_start3A_38 : memref<800000x128xf32, #tpu.memory_space<hbm>>) target(%dma_start3A_32 : memref<64x128xf32, #tpu.memory_space<vmem>>) offsets(%dma_start3A_35 : memref<64xi32, #tpu.memory_space<vmem>>) semaphore(%arg7 : memref<!tpu.dma_semaphore, #tpu.memory_space<semaphore_mem>>)
    %dma_start3A_39 = arith.constant 1 : i32
    %dma_start3A_40 = arith.constant 0 : i32
    %dma_start3A_41 = arith.constant 1 : i32
    %dma_start3A_42 = arith.constant 0 : i32
    %dma_start3A_43 = arith.constant 0 : i32
    %dma_start3A_44 = tpu.memref_slice %arg6[%dma_start3A_40, %dma_start3A_41, %dma_start3A_42, %dma_start3A_43] : memref<2x5x64x128xf32, #tpu.memory_space<vmem>> -> memref<1x1x64x128xf32, #tpu.memory_space<vmem>>
    %dma_start3A_45 = tpu.memref_squeeze %dma_start3A_44 : memref<1x1x64x128xf32, #tpu.memory_space<vmem>> -> memref<64x128xf32, #tpu.memory_space<vmem>>
    %dma_start3A_46 = arith.constant 0 : i32
    %dma_start3A_47 = tpu.memref_slice %arg5[%dma_start3A_39, %dma_start3A_46] : memref<200x64xi32, #tpu.memory_space<vmem>> -> memref<1x64xi32, #tpu.memory_space<vmem>>
    %dma_start3A_48 = tpu.memref_squeeze %dma_start3A_47 : memref<1x64xi32, #tpu.memory_space<vmem>> -> memref<64xi32, #tpu.memory_space<vmem>>
    %dma_start3A_49 = arith.constant 0 : i32
    %dma_start3A_50 = arith.constant 0 : i32
    %dma_start3A_51 = tpu.memref_slice %arg3[%dma_start3A_49, %dma_start3A_50] : memref<800000x128xf32, #tpu.memory_space<hbm>> -> memref<800000x128xf32, #tpu.memory_space<hbm>>
    tpu.enqueue_indirect_dma source(%dma_start3A_51 : memref<800000x128xf32, #tpu.memory_space<hbm>>) target(%dma_start3A_45 : memref<64x128xf32, #tpu.memory_space<vmem>>) offsets(%dma_start3A_48 : memref<64xi32, #tpu.memory_space<vmem>>) semaphore(%arg7 : memref<!tpu.dma_semaphore, #tpu.memory_space<semaphore_mem>>)
    %dma_start3A_52 = arith.constant 2 : i32
    %dma_start3A_53 = arith.constant 0 : i32
    %dma_start3A_54 = arith.constant 2 : i32
    %dma_start3A_55 = arith.constant 0 : i32
    %dma_start3A_56 = arith.constant 0 : i32
    %dma_start3A_57 = tpu.memref_slice %arg6[%dma_start3A_53, %dma_start3A_54, %dma_start3A_55, %dma_start3A_56] : memref<2x5x64x128xf32, #tpu.memory_space<vmem>> -> memref<1x1x64x128xf32, #tpu.memory_space<vmem>>
    %dma_start3A_58 = tpu.memref_squeeze %dma_start3A_57 : memref<1x1x64x128xf32, #tpu.memory_space<vmem>> -> memref<64x128xf32, #tpu.memory_space<vmem>>
    %dma_start3A_59 = arith.constant 0 : i32
    %dma_start3A_60 = tpu.memref_slice %arg5[%dma_start3A_52, %dma_start3A_59] : memref<200x64xi32, #tpu.memory_space<vmem>> -> memref<1x64xi32, #tpu.memory_space<vmem>>
    %dma_start3A_61 = tpu.memref_squeeze %dma_start3A_60 : memref<1x64xi32, #tpu.memory_space<vmem>> -> memref<64xi32, #tpu.memory_space<vmem>>
    %dma_start3A_62 = arith.constant 0 : i32
    %dma_start3A_63 = arith.constant 0 : i32
    %dma_start3A_64 = tpu.memref_slice %arg3[%dma_start3A_62, %dma_start3A_63] : memref<800000x128xf32, #tpu.memory_space<hbm>> -> memref<800000x128xf32, #tpu.memory_space<hbm>>
    tpu.enqueue_indirect_dma source(%dma_start3A_64 : memref<800000x128xf32, #tpu.memory_space<hbm>>) target(%dma_start3A_58 : memref<64x128xf32, #tpu.memory_space<vmem>>) offsets(%dma_start3A_61 : memref<64xi32, #tpu.memory_space<vmem>>) semaphore(%arg7 : memref<!tpu.dma_semaphore, #tpu.memory_space<semaphore_mem>>)
    %dma_start3A_65 = arith.constant 3 : i32
    %dma_start3A_66 = arith.constant 0 : i32
    %dma_start3A_67 = arith.constant 3 : i32
    %dma_start3A_68 = arith.constant 0 : i32
    %dma_start3A_69 = arith.constant 0 : i32
    %dma_start3A_70 = tpu.memref_slice %arg6[%dma_start3A_66, %dma_start3A_67, %dma_start3A_68, %dma_start3A_69] : memref<2x5x64x128xf32, #tpu.memory_space<vmem>> -> memref<1x1x64x128xf32, #tpu.memory_space<vmem>>
    %dma_start3A_71 = tpu.memref_squeeze %dma_start3A_70 : memref<1x1x64x128xf32, #tpu.memory_space<vmem>> -> memref<64x128xf32, #tpu.memory_space<vmem>>
    %dma_start3A_72 = arith.constant 0 : i32
    %dma_start3A_73 = tpu.memref_slice %arg5[%dma_start3A_65, %dma_start3A_72] : memref<200x64xi32, #tpu.memory_space<vmem>> -> memref<1x64xi32, #tpu.memory_space<vmem>>
    %dma_start3A_74 = tpu.memref_squeeze %dma_start3A_73 : memref<1x64xi32, #tpu.memory_space<vmem>> -> memref<64xi32, #tpu.memory_space<vmem>>
    %dma_start3A_75 = arith.constant 0 : i32
    %dma_start3A_76 = arith.constant 0 : i32
    %dma_start3A_77 = tpu.memref_slice %arg3[%dma_start3A_75, %dma_start3A_76] : memref<800000x128xf32, #tpu.memory_space<hbm>> -> memref<800000x128xf32, #tpu.memory_space<hbm>>
    tpu.enqueue_indirect_dma source(%dma_start3A_77 : memref<800000x128xf32, #tpu.memory_space<hbm>>) target(%dma_start3A_71 : memref<64x128xf32, #tpu.memory_space<vmem>>) offsets(%dma_start3A_74 : memref<64xi32, #tpu.memory_space<vmem>>) semaphore(%arg7 : memref<!tpu.dma_semaphore, #tpu.memory_space<semaphore_mem>>)
    %dma_start3A_78 = arith.constant 4 : i32
    %dma_start3A_79 = arith.constant 0 : i32
    %dma_start3A_80 = arith.constant 4 : i32
    %dma_start3A_81 = arith.constant 0 : i32
    %dma_start3A_82 = arith.constant 0 : i32
    %dma_start3A_83 = tpu.memref_slice %arg6[%dma_start3A_79, %dma_start3A_80, %dma_start3A_81, %dma_start3A_82] : memref<2x5x64x128xf32, #tpu.memory_space<vmem>> -> memref<1x1x64x128xf32, #tpu.memory_space<vmem>>
    %dma_start3A_84 = tpu.memref_squeeze %dma_start3A_83 : memref<1x1x64x128xf32, #tpu.memory_space<vmem>> -> memref<64x128xf32, #tpu.memory_space<vmem>>
    %dma_start3A_85 = arith.constant 0 : i32
    %dma_start3A_86 = tpu.memref_slice %arg5[%dma_start3A_78, %dma_start3A_85] : memref<200x64xi32, #tpu.memory_space<vmem>> -> memref<1x64xi32, #tpu.memory_space<vmem>>
    %dma_start3A_87 = tpu.memref_squeeze %dma_start3A_86 : memref<1x64xi32, #tpu.memory_space<vmem>> -> memref<64xi32, #tpu.memory_space<vmem>>
    %dma_start3A_88 = arith.constant 0 : i32
    %dma_start3A_89 = arith.constant 0 : i32
    %dma_start3A_90 = tpu.memref_slice %arg3[%dma_start3A_88, %dma_start3A_89] : memref<800000x128xf32, #tpu.memory_space<hbm>> -> memref<800000x128xf32, #tpu.memory_space<hbm>>
    tpu.enqueue_indirect_dma source(%dma_start3A_90 : memref<800000x128xf32, #tpu.memory_space<hbm>>) target(%dma_start3A_84 : memref<64x128xf32, #tpu.memory_space<vmem>>) offsets(%dma_start3A_87 : memref<64xi32, #tpu.memory_space<vmem>>) semaphore(%arg7 : memref<!tpu.dma_semaphore, #tpu.memory_space<semaphore_mem>>)
    %scan3A_91 = arith.constant 0 : i32
    %scan3A_92 = arith.constant 0 : i32
    %scan3A_93 = arith.constant 40 : i32
    %scan3A_94 = arith.addi %scan3A_92, %scan3A_93 : i32
    %scan3A_95 = arith.constant 1 : i32
    %scan3A_96 = scf.for %scan3A_177 = %scan3A_92 to %scan3A_94 step %scan3A_95 iter_args(%scan3A_178 = %scan3A_91) -> (i32)  : i32 {
      %jit3A_179 = arith.constant 2 : i32
      %eq3A_180 = arith.constant 0 : i32
      %eq3A_181 = arith.cmpi eq, %jit3A_179, %eq3A_180 : i32
      %jit3A_182 = arith.constant 1 : i32
      %select_n3A_183 = arith.select %eq3A_181, %jit3A_182, %jit3A_179 : i32
      %rem3A_184 = arith.remsi %scan3A_177, %select_n3A_183 : i32
      %ne3A_185 = arith.constant 0 : i32
      %ne3A_186 = arith.cmpi ne, %rem3A_184, %ne3A_185 : i32
      %lt3A_187 = arith.constant 0 : i32
      %lt3A_188 = arith.cmpi slt, %rem3A_184, %lt3A_187 : i32
      %lt3A_189 = arith.constant 0 : i32
      %lt3A_190 = arith.cmpi slt, %select_n3A_183, %lt3A_189 : i32
      %ne3A_191 = arith.xori %lt3A_188, %lt3A_190 : i1
      %and3A_192 = arith.andi %ne3A_191, %ne3A_186 : i1
      %add3A_193 = arith.addi %rem3A_184, %select_n3A_183 : i32
      %select_n3A_194 = arith.select %and3A_192, %add3A_193, %rem3A_184 : i32
      %ge3A = arith.constant 1 : i32
      %ge3A_195 = arith.cmpi sge, %scan3A_177, %ge3A : i32
      %convert_element_type3A = arith.extui %ge3A_195 : i1 to i32
      %cond3A = arith.constant 0 : i32
      %cond3A_196 = arith.cmpi ne, %convert_element_type3A, %cond3A : i32
      scf.if %cond3A_196 {
        %sub3A = arith.constant 1 : i32
        %sub3A_360 = arith.subi %scan3A_177, %sub3A : i32
        %mul3A_361 = arith.constant 5 : i32
        %mul3A_362 = arith.muli %sub3A_360, %mul3A_361 : i32
        %add3A_363 = arith.constant 0 : i32
        %add3A_364 = arith.addi %mul3A_362, %add3A_363 : i32
        %sub3A_365 = arith.constant 1 : i32
        %sub3A_366 = arith.subi %sub3A_365, %select_n3A_194 : i32
        %mul3A_367 = arith.constant 64 : i32
        %mul3A_368 = arith.muli %add3A_364, %mul3A_367 : i32
        %add3A_369 = arith.addi %mul3A_2, %mul3A_368 : i32
        %dma_wait3A_370 = arith.constant 0 : i32
        %dma_wait3A_371 = arith.constant 0 : i32
        %dma_wait3A_372 = arith.constant 0 : i32
        %dma_wait3A_373 = tpu.memref_slice %arg6[%sub3A_366, %dma_wait3A_370, %dma_wait3A_371, %dma_wait3A_372] : memref<2x5x64x128xf32, #tpu.memory_space<vmem>> -> memref<1x1x64x128xf32, #tpu.memory_space<vmem>>
        %dma_wait3A_374 = tpu.memref_squeeze %dma_wait3A_373 : memref<1x1x64x128xf32, #tpu.memory_space<vmem>> -> memref<64x128xf32, #tpu.memory_space<vmem>>
        %dma_wait3A_375 = arith.constant 0 : i32
        %dma_wait3A_376 = tpu.memref_slice %arg4[%add3A_369, %dma_wait3A_375] : memref<409600x128xf32, #tpu.memory_space<hbm>> -> memref<64x128xf32, #tpu.memory_space<hbm>>
        %dma_wait3A_377 = arith.constant 0 : i32
        %dma_wait3A_378 = tpu.memref_slice %arg4[%add3A_369, %dma_wait3A_377] : memref<409600x128xf32, #tpu.memory_space<hbm>> -> memref<64x128xf32, #tpu.memory_space<hbm>>
        %dma_wait3A_379 = arith.constant 0 : i32
        %dma_wait3A_380 = arith.constant 0 : i32
        %dma_wait3A_381 = tpu.memref_slice %arg6[%sub3A_366, %dma_wait3A_370, %dma_wait3A_379, %dma_wait3A_380] : memref<2x5x64x128xf32, #tpu.memory_space<vmem>> -> memref<1x1x64x128xf32, #tpu.memory_space<vmem>>
        %dma_wait3A_382 = tpu.memref_squeeze %dma_wait3A_381 : memref<1x1x64x128xf32, #tpu.memory_space<vmem>> -> memref<64x128xf32, #tpu.memory_space<vmem>>
        tpu.wait_dma2 semaphore(%arg8 : memref<!tpu.dma_semaphore, #tpu.memory_space<semaphore_mem>>) src(%dma_wait3A_382 : memref<64x128xf32, #tpu.memory_space<vmem>>) dst(%dma_wait3A_378 : memref<64x128xf32, #tpu.memory_space<hbm>>)
        %sub3A_383 = arith.constant 1 : i32
        %sub3A_384 = arith.subi %scan3A_177, %sub3A_383 : i32
        %mul3A_385 = arith.constant 5 : i32
        %mul3A_386 = arith.muli %sub3A_384, %mul3A_385 : i32
        %add3A_387 = arith.constant 1 : i32
        %add3A_388 = arith.addi %mul3A_386, %add3A_387 : i32
        %sub3A_389 = arith.constant 1 : i32
        %sub3A_390 = arith.subi %sub3A_389, %select_n3A_194 : i32
        %mul3A_391 = arith.constant 64 : i32
        %mul3A_392 = arith.muli %add3A_388, %mul3A_391 : i32
        %add3A_393 = arith.addi %mul3A_2, %mul3A_392 : i32
        %dma_wait3A_394 = arith.constant 1 : i32
        %dma_wait3A_395 = arith.constant 0 : i32
        %dma_wait3A_396 = arith.constant 0 : i32
        %dma_wait3A_397 = tpu.memref_slice %arg6[%sub3A_390, %dma_wait3A_394, %dma_wait3A_395, %dma_wait3A_396] : memref<2x5x64x128xf32, #tpu.memory_space<vmem>> -> memref<1x1x64x128xf32, #tpu.memory_space<vmem>>
        %dma_wait3A_398 = tpu.memref_squeeze %dma_wait3A_397 : memref<1x1x64x128xf32, #tpu.memory_space<vmem>> -> memref<64x128xf32, #tpu.memory_space<vmem>>
        %dma_wait3A_399 = arith.constant 0 : i32
        %dma_wait3A_400 = tpu.memref_slice %arg4[%add3A_393, %dma_wait3A_399] : memref<409600x128xf32, #tpu.memory_space<hbm>> -> memref<64x128xf32, #tpu.memory_space<hbm>>
        %dma_wait3A_401 = arith.constant 0 : i32
        %dma_wait3A_402 = tpu.memref_slice %arg4[%add3A_393, %dma_wait3A_401] : memref<409600x128xf32, #tpu.memory_space<hbm>> -> memref<64x128xf32, #tpu.memory_space<hbm>>
        %dma_wait3A_403 = arith.constant 0 : i32
        %dma_wait3A_404 = arith.constant 0 : i32
        %dma_wait3A_405 = tpu.memref_slice %arg6[%sub3A_390, %dma_wait3A_394, %dma_wait3A_403, %dma_wait3A_404] : memref<2x5x64x128xf32, #tpu.memory_space<vmem>> -> memref<1x1x64x128xf32, #tpu.memory_space<vmem>>
        %dma_wait3A_406 = tpu.memref_squeeze %dma_wait3A_405 : memref<1x1x64x128xf32, #tpu.memory_space<vmem>> -> memref<64x128xf32, #tpu.memory_space<vmem>>
        tpu.wait_dma2 semaphore(%arg8 : memref<!tpu.dma_semaphore, #tpu.memory_space<semaphore_mem>>) src(%dma_wait3A_406 : memref<64x128xf32, #tpu.memory_space<vmem>>) dst(%dma_wait3A_402 : memref<64x128xf32, #tpu.memory_space<hbm>>)
        %sub3A_407 = arith.constant 1 : i32
        %sub3A_408 = arith.subi %scan3A_177, %sub3A_407 : i32
        %mul3A_409 = arith.constant 5 : i32
        %mul3A_410 = arith.muli %sub3A_408, %mul3A_409 : i32
        %add3A_411 = arith.constant 2 : i32
        %add3A_412 = arith.addi %mul3A_410, %add3A_411 : i32
        %sub3A_413 = arith.constant 1 : i32
        %sub3A_414 = arith.subi %sub3A_413, %select_n3A_194 : i32
        %mul3A_415 = arith.constant 64 : i32
        %mul3A_416 = arith.muli %add3A_412, %mul3A_415 : i32
        %add3A_417 = arith.addi %mul3A_2, %mul3A_416 : i32
        %dma_wait3A_418 = arith.constant 2 : i32
        %dma_wait3A_419 = arith.constant 0 : i32
        %dma_wait3A_420 = arith.constant 0 : i32
        %dma_wait3A_421 = tpu.memref_slice %arg6[%sub3A_414, %dma_wait3A_418, %dma_wait3A_419, %dma_wait3A_420] : memref<2x5x64x128xf32, #tpu.memory_space<vmem>> -> memref<1x1x64x128xf32, #tpu.memory_space<vmem>>
        %dma_wait3A_422 = tpu.memref_squeeze %dma_wait3A_421 : memref<1x1x64x128xf32, #tpu.memory_space<vmem>> -> memref<64x128xf32, #tpu.memory_space<vmem>>
        %dma_wait3A_423 = arith.constant 0 : i32
        %dma_wait3A_424 = tpu.memref_slice %arg4[%add3A_417, %dma_wait3A_423] : memref<409600x128xf32, #tpu.memory_space<hbm>> -> memref<64x128xf32, #tpu.memory_space<hbm>>
        %dma_wait3A_425 = arith.constant 0 : i32
        %dma_wait3A_426 = tpu.memref_slice %arg4[%add3A_417, %dma_wait3A_425] : memref<409600x128xf32, #tpu.memory_space<hbm>> -> memref<64x128xf32, #tpu.memory_space<hbm>>
        %dma_wait3A_427 = arith.constant 0 : i32
        %dma_wait3A_428 = arith.constant 0 : i32
        %dma_wait3A_429 = tpu.memref_slice %arg6[%sub3A_414, %dma_wait3A_418, %dma_wait3A_427, %dma_wait3A_428] : memref<2x5x64x128xf32, #tpu.memory_space<vmem>> -> memref<1x1x64x128xf32, #tpu.memory_space<vmem>>
        %dma_wait3A_430 = tpu.memref_squeeze %dma_wait3A_429 : memref<1x1x64x128xf32, #tpu.memory_space<vmem>> -> memref<64x128xf32, #tpu.memory_space<vmem>>
        tpu.wait_dma2 semaphore(%arg8 : memref<!tpu.dma_semaphore, #tpu.memory_space<semaphore_mem>>) src(%dma_wait3A_430 : memref<64x128xf32, #tpu.memory_space<vmem>>) dst(%dma_wait3A_426 : memref<64x128xf32, #tpu.memory_space<hbm>>)
        %sub3A_431 = arith.constant 1 : i32
        %sub3A_432 = arith.subi %scan3A_177, %sub3A_431 : i32
        %mul3A_433 = arith.constant 5 : i32
        %mul3A_434 = arith.muli %sub3A_432, %mul3A_433 : i32
        %add3A_435 = arith.constant 3 : i32
        %add3A_436 = arith.addi %mul3A_434, %add3A_435 : i32
        %sub3A_437 = arith.constant 1 : i32
        %sub3A_438 = arith.subi %sub3A_437, %select_n3A_194 : i32
        %mul3A_439 = arith.constant 64 : i32
        %mul3A_440 = arith.muli %add3A_436, %mul3A_439 : i32
        %add3A_441 = arith.addi %mul3A_2, %mul3A_440 : i32
        %dma_wait3A_442 = arith.constant 3 : i32
        %dma_wait3A_443 = arith.constant 0 : i32
        %dma_wait3A_444 = arith.constant 0 : i32
        %dma_wait3A_445 = tpu.memref_slice %arg6[%sub3A_438, %dma_wait3A_442, %dma_wait3A_443, %dma_wait3A_444] : memref<2x5x64x128xf32, #tpu.memory_space<vmem>> -> memref<1x1x64x128xf32, #tpu.memory_space<vmem>>
        %dma_wait3A_446 = tpu.memref_squeeze %dma_wait3A_445 : memref<1x1x64x128xf32, #tpu.memory_space<vmem>> -> memref<64x128xf32, #tpu.memory_space<vmem>>
        %dma_wait3A_447 = arith.constant 0 : i32
        %dma_wait3A_448 = tpu.memref_slice %arg4[%add3A_441, %dma_wait3A_447] : memref<409600x128xf32, #tpu.memory_space<hbm>> -> memref<64x128xf32, #tpu.memory_space<hbm>>
        %dma_wait3A_449 = arith.constant 0 : i32
        %dma_wait3A_450 = tpu.memref_slice %arg4[%add3A_441, %dma_wait3A_449] : memref<409600x128xf32, #tpu.memory_space<hbm>> -> memref<64x128xf32, #tpu.memory_space<hbm>>
        %dma_wait3A_451 = arith.constant 0 : i32
        %dma_wait3A_452 = arith.constant 0 : i32
        %dma_wait3A_453 = tpu.memref_slice %arg6[%sub3A_438, %dma_wait3A_442, %dma_wait3A_451, %dma_wait3A_452] : memref<2x5x64x128xf32, #tpu.memory_space<vmem>> -> memref<1x1x64x128xf32, #tpu.memory_space<vmem>>
        %dma_wait3A_454 = tpu.memref_squeeze %dma_wait3A_453 : memref<1x1x64x128xf32, #tpu.memory_space<vmem>> -> memref<64x128xf32, #tpu.memory_space<vmem>>
        tpu.wait_dma2 semaphore(%arg8 : memref<!tpu.dma_semaphore, #tpu.memory_space<semaphore_mem>>) src(%dma_wait3A_454 : memref<64x128xf32, #tpu.memory_space<vmem>>) dst(%dma_wait3A_450 : memref<64x128xf32, #tpu.memory_space<hbm>>)
        %sub3A_455 = arith.constant 1 : i32
        %sub3A_456 = arith.subi %scan3A_177, %sub3A_455 : i32
        %mul3A_457 = arith.constant 5 : i32
        %mul3A_458 = arith.muli %sub3A_456, %mul3A_457 : i32
        %add3A_459 = arith.constant 4 : i32
        %add3A_460 = arith.addi %mul3A_458, %add3A_459 : i32
        %sub3A_461 = arith.constant 1 : i32
        %sub3A_462 = arith.subi %sub3A_461, %select_n3A_194 : i32
        %mul3A_463 = arith.constant 64 : i32
        %mul3A_464 = arith.muli %add3A_460, %mul3A_463 : i32
        %add3A_465 = arith.addi %mul3A_2, %mul3A_464 : i32
        %dma_wait3A_466 = arith.constant 4 : i32
        %dma_wait3A_467 = arith.constant 0 : i32
        %dma_wait3A_468 = arith.constant 0 : i32
        %dma_wait3A_469 = tpu.memref_slice %arg6[%sub3A_462, %dma_wait3A_466, %dma_wait3A_467, %dma_wait3A_468] : memref<2x5x64x128xf32, #tpu.memory_space<vmem>> -> memref<1x1x64x128xf32, #tpu.memory_space<vmem>>
        %dma_wait3A_470 = tpu.memref_squeeze %dma_wait3A_469 : memref<1x1x64x128xf32, #tpu.memory_space<vmem>> -> memref<64x128xf32, #tpu.memory_space<vmem>>
        %dma_wait3A_471 = arith.constant 0 : i32
        %dma_wait3A_472 = tpu.memref_slice %arg4[%add3A_465, %dma_wait3A_471] : memref<409600x128xf32, #tpu.memory_space<hbm>> -> memref<64x128xf32, #tpu.memory_space<hbm>>
        %dma_wait3A_473 = arith.constant 0 : i32
        %dma_wait3A_474 = tpu.memref_slice %arg4[%add3A_465, %dma_wait3A_473] : memref<409600x128xf32, #tpu.memory_space<hbm>> -> memref<64x128xf32, #tpu.memory_space<hbm>>
        %dma_wait3A_475 = arith.constant 0 : i32
        %dma_wait3A_476 = arith.constant 0 : i32
        %dma_wait3A_477 = tpu.memref_slice %arg6[%sub3A_462, %dma_wait3A_466, %dma_wait3A_475, %dma_wait3A_476] : memref<2x5x64x128xf32, #tpu.memory_space<vmem>> -> memref<1x1x64x128xf32, #tpu.memory_space<vmem>>
        %dma_wait3A_478 = tpu.memref_squeeze %dma_wait3A_477 : memref<1x1x64x128xf32, #tpu.memory_space<vmem>> -> memref<64x128xf32, #tpu.memory_space<vmem>>
        tpu.wait_dma2 semaphore(%arg8 : memref<!tpu.dma_semaphore, #tpu.memory_space<semaphore_mem>>) src(%dma_wait3A_478 : memref<64x128xf32, #tpu.memory_space<vmem>>) dst(%dma_wait3A_474 : memref<64x128xf32, #tpu.memory_space<hbm>>)
      } else {
      }
      %add3A_197 = arith.constant 1 : i32
      %add3A_198 = arith.addi %scan3A_177, %add3A_197 : i32
      %lt3A_199 = arith.constant 40 : i32
      %lt3A_200 = arith.cmpi slt, %add3A_198, %lt3A_199 : i32
      %convert_element_type3A_201 = arith.extui %lt3A_200 : i1 to i32
      %cond3A_202 = arith.constant 0 : i32
      %cond3A_203 = arith.cmpi ne, %convert_element_type3A_201, %cond3A_202 : i32
      scf.if %cond3A_203 {
        %add3A_360 = arith.constant 1 : i32
        %add3A_361 = arith.addi %scan3A_177, %add3A_360 : i32
        %mul3A_362 = arith.constant 5 : i32
        %mul3A_363 = arith.muli %add3A_361, %mul3A_362 : i32
        %add3A_364 = arith.constant 0 : i32
        %add3A_365 = arith.addi %mul3A_363, %add3A_364 : i32
        %sub3A = arith.constant 1 : i32
        %sub3A_366 = arith.subi %sub3A, %select_n3A_194 : i32
        %dma_start3A_367 = arith.constant 0 : i32
        %dma_start3A_368 = arith.constant 0 : i32
        %dma_start3A_369 = arith.constant 0 : i32
        %dma_start3A_370 = tpu.memref_slice %arg6[%sub3A_366, %dma_start3A_367, %dma_start3A_368, %dma_start3A_369] : memref<2x5x64x128xf32, #tpu.memory_space<vmem>> -> memref<1x1x64x128xf32, #tpu.memory_space<vmem>>
        %dma_start3A_371 = tpu.memref_squeeze %dma_start3A_370 : memref<1x1x64x128xf32, #tpu.memory_space<vmem>> -> memref<64x128xf32, #tpu.memory_space<vmem>>
        %dma_start3A_372 = arith.constant 0 : i32
        %dma_start3A_373 = tpu.memref_slice %arg5[%add3A_365, %dma_start3A_372] : memref<200x64xi32, #tpu.memory_space<vmem>> -> memref<1x64xi32, #tpu.memory_space<vmem>>
        %dma_start3A_374 = tpu.memref_squeeze %dma_start3A_373 : memref<1x64xi32, #tpu.memory_space<vmem>> -> memref<64xi32, #tpu.memory_space<vmem>>
        %dma_start3A_375 = arith.constant 0 : i32
        %dma_start3A_376 = arith.constant 0 : i32
        %dma_start3A_377 = tpu.memref_slice %arg3[%dma_start3A_375, %dma_start3A_376] : memref<800000x128xf32, #tpu.memory_space<hbm>> -> memref<800000x128xf32, #tpu.memory_space<hbm>>
        tpu.enqueue_indirect_dma source(%dma_start3A_377 : memref<800000x128xf32, #tpu.memory_space<hbm>>) target(%dma_start3A_371 : memref<64x128xf32, #tpu.memory_space<vmem>>) offsets(%dma_start3A_374 : memref<64xi32, #tpu.memory_space<vmem>>) semaphore(%arg7 : memref<!tpu.dma_semaphore, #tpu.memory_space<semaphore_mem>>)
        %add3A_378 = arith.constant 1 : i32
        %add3A_379 = arith.addi %scan3A_177, %add3A_378 : i32
        %mul3A_380 = arith.constant 5 : i32
        %mul3A_381 = arith.muli %add3A_379, %mul3A_380 : i32
        %add3A_382 = arith.constant 1 : i32
        %add3A_383 = arith.addi %mul3A_381, %add3A_382 : i32
        %sub3A_384 = arith.constant 1 : i32
        %sub3A_385 = arith.subi %sub3A_384, %select_n3A_194 : i32
        %dma_start3A_386 = arith.constant 1 : i32
        %dma_start3A_387 = arith.constant 0 : i32
        %dma_start3A_388 = arith.constant 0 : i32
        %dma_start3A_389 = tpu.memref_slice %arg6[%sub3A_385, %dma_start3A_386, %dma_start3A_387, %dma_start3A_388] : memref<2x5x64x128xf32, #tpu.memory_space<vmem>> -> memref<1x1x64x128xf32, #tpu.memory_space<vmem>>
        %dma_start3A_390 = tpu.memref_squeeze %dma_start3A_389 : memref<1x1x64x128xf32, #tpu.memory_space<vmem>> -> memref<64x128xf32, #tpu.memory_space<vmem>>
        %dma_start3A_391 = arith.constant 0 : i32
        %dma_start3A_392 = tpu.memref_slice %arg5[%add3A_383, %dma_start3A_391] : memref<200x64xi32, #tpu.memory_space<vmem>> -> memref<1x64xi32, #tpu.memory_space<vmem>>
        %dma_start3A_393 = tpu.memref_squeeze %dma_start3A_392 : memref<1x64xi32, #tpu.memory_space<vmem>> -> memref<64xi32, #tpu.memory_space<vmem>>
        %dma_start3A_394 = arith.constant 0 : i32
        %dma_start3A_395 = arith.constant 0 : i32
        %dma_start3A_396 = tpu.memref_slice %arg3[%dma_start3A_394, %dma_start3A_395] : memref<800000x128xf32, #tpu.memory_space<hbm>> -> memref<800000x128xf32, #tpu.memory_space<hbm>>
        tpu.enqueue_indirect_dma source(%dma_start3A_396 : memref<800000x128xf32, #tpu.memory_space<hbm>>) target(%dma_start3A_390 : memref<64x128xf32, #tpu.memory_space<vmem>>) offsets(%dma_start3A_393 : memref<64xi32, #tpu.memory_space<vmem>>) semaphore(%arg7 : memref<!tpu.dma_semaphore, #tpu.memory_space<semaphore_mem>>)
        %add3A_397 = arith.constant 1 : i32
        %add3A_398 = arith.addi %scan3A_177, %add3A_397 : i32
        %mul3A_399 = arith.constant 5 : i32
        %mul3A_400 = arith.muli %add3A_398, %mul3A_399 : i32
        %add3A_401 = arith.constant 2 : i32
        %add3A_402 = arith.addi %mul3A_400, %add3A_401 : i32
        %sub3A_403 = arith.constant 1 : i32
        %sub3A_404 = arith.subi %sub3A_403, %select_n3A_194 : i32
        %dma_start3A_405 = arith.constant 2 : i32
        %dma_start3A_406 = arith.constant 0 : i32
        %dma_start3A_407 = arith.constant 0 : i32
        %dma_start3A_408 = tpu.memref_slice %arg6[%sub3A_404, %dma_start3A_405, %dma_start3A_406, %dma_start3A_407] : memref<2x5x64x128xf32, #tpu.memory_space<vmem>> -> memref<1x1x64x128xf32, #tpu.memory_space<vmem>>
        %dma_start3A_409 = tpu.memref_squeeze %dma_start3A_408 : memref<1x1x64x128xf32, #tpu.memory_space<vmem>> -> memref<64x128xf32, #tpu.memory_space<vmem>>
        %dma_start3A_410 = arith.constant 0 : i32
        %dma_start3A_411 = tpu.memref_slice %arg5[%add3A_402, %dma_start3A_410] : memref<200x64xi32, #tpu.memory_space<vmem>> -> memref<1x64xi32, #tpu.memory_space<vmem>>
        %dma_start3A_412 = tpu.memref_squeeze %dma_start3A_411 : memref<1x64xi32, #tpu.memory_space<vmem>> -> memref<64xi32, #tpu.memory_space<vmem>>
        %dma_start3A_413 = arith.constant 0 : i32
        %dma_start3A_414 = arith.constant 0 : i32
        %dma_start3A_415 = tpu.memref_slice %arg3[%dma_start3A_413, %dma_start3A_414] : memref<800000x128xf32, #tpu.memory_space<hbm>> -> memref<800000x128xf32, #tpu.memory_space<hbm>>
        tpu.enqueue_indirect_dma source(%dma_start3A_415 : memref<800000x128xf32, #tpu.memory_space<hbm>>) target(%dma_start3A_409 : memref<64x128xf32, #tpu.memory_space<vmem>>) offsets(%dma_start3A_412 : memref<64xi32, #tpu.memory_space<vmem>>) semaphore(%arg7 : memref<!tpu.dma_semaphore, #tpu.memory_space<semaphore_mem>>)
        %add3A_416 = arith.constant 1 : i32
        %add3A_417 = arith.addi %scan3A_177, %add3A_416 : i32
        %mul3A_418 = arith.constant 5 : i32
        %mul3A_419 = arith.muli %add3A_417, %mul3A_418 : i32
        %add3A_420 = arith.constant 3 : i32
        %add3A_421 = arith.addi %mul3A_419, %add3A_420 : i32
        %sub3A_422 = arith.constant 1 : i32
        %sub3A_423 = arith.subi %sub3A_422, %select_n3A_194 : i32
        %dma_start3A_424 = arith.constant 3 : i32
        %dma_start3A_425 = arith.constant 0 : i32
        %dma_start3A_426 = arith.constant 0 : i32
        %dma_start3A_427 = tpu.memref_slice %arg6[%sub3A_423, %dma_start3A_424, %dma_start3A_425, %dma_start3A_426] : memref<2x5x64x128xf32, #tpu.memory_space<vmem>> -> memref<1x1x64x128xf32, #tpu.memory_space<vmem>>
        %dma_start3A_428 = tpu.memref_squeeze %dma_start3A_427 : memref<1x1x64x128xf32, #tpu.memory_space<vmem>> -> memref<64x128xf32, #tpu.memory_space<vmem>>
        %dma_start3A_429 = arith.constant 0 : i32
        %dma_start3A_430 = tpu.memref_slice %arg5[%add3A_421, %dma_start3A_429] : memref<200x64xi32, #tpu.memory_space<vmem>> -> memref<1x64xi32, #tpu.memory_space<vmem>>
        %dma_start3A_431 = tpu.memref_squeeze %dma_start3A_430 : memref<1x64xi32, #tpu.memory_space<vmem>> -> memref<64xi32, #tpu.memory_space<vmem>>
        %dma_start3A_432 = arith.constant 0 : i32
        %dma_start3A_433 = arith.constant 0 : i32
        %dma_start3A_434 = tpu.memref_slice %arg3[%dma_start3A_432, %dma_start3A_433] : memref<800000x128xf32, #tpu.memory_space<hbm>> -> memref<800000x128xf32, #tpu.memory_space<hbm>>
        tpu.enqueue_indirect_dma source(%dma_start3A_434 : memref<800000x128xf32, #tpu.memory_space<hbm>>) target(%dma_start3A_428 : memref<64x128xf32, #tpu.memory_space<vmem>>) offsets(%dma_start3A_431 : memref<64xi32, #tpu.memory_space<vmem>>) semaphore(%arg7 : memref<!tpu.dma_semaphore, #tpu.memory_space<semaphore_mem>>)
        %add3A_435 = arith.constant 1 : i32
        %add3A_436 = arith.addi %scan3A_177, %add3A_435 : i32
        %mul3A_437 = arith.constant 5 : i32
        %mul3A_438 = arith.muli %add3A_436, %mul3A_437 : i32
        %add3A_439 = arith.constant 4 : i32
        %add3A_440 = arith.addi %mul3A_438, %add3A_439 : i32
        %sub3A_441 = arith.constant 1 : i32
        %sub3A_442 = arith.subi %sub3A_441, %select_n3A_194 : i32
        %dma_start3A_443 = arith.constant 4 : i32
        %dma_start3A_444 = arith.constant 0 : i32
        %dma_start3A_445 = arith.constant 0 : i32
        %dma_start3A_446 = tpu.memref_slice %arg6[%sub3A_442, %dma_start3A_443, %dma_start3A_444, %dma_start3A_445] : memref<2x5x64x128xf32, #tpu.memory_space<vmem>> -> memref<1x1x64x128xf32, #tpu.memory_space<vmem>>
        %dma_start3A_447 = tpu.memref_squeeze %dma_start3A_446 : memref<1x1x64x128xf32, #tpu.memory_space<vmem>> -> memref<64x128xf32, #tpu.memory_space<vmem>>
        %dma_start3A_448 = arith.constant 0 : i32
        %dma_start3A_449 = tpu.memref_slice %arg5[%add3A_440, %dma_start3A_448] : memref<200x64xi32, #tpu.memory_space<vmem>> -> memref<1x64xi32, #tpu.memory_space<vmem>>
        %dma_start3A_450 = tpu.memref_squeeze %dma_start3A_449 : memref<1x64xi32, #tpu.memory_space<vmem>> -> memref<64xi32, #tpu.memory_space<vmem>>
        %dma_start3A_451 = arith.constant 0 : i32
        %dma_start3A_452 = arith.constant 0 : i32
        %dma_start3A_453 = tpu.memref_slice %arg3[%dma_start3A_451, %dma_start3A_452] : memref<800000x128xf32, #tpu.memory_space<hbm>> -> memref<800000x128xf32, #tpu.memory_space<hbm>>
        tpu.enqueue_indirect_dma source(%dma_start3A_453 : memref<800000x128xf32, #tpu.memory_space<hbm>>) target(%dma_start3A_447 : memref<64x128xf32, #tpu.memory_space<vmem>>) offsets(%dma_start3A_450 : memref<64xi32, #tpu.memory_space<vmem>>) semaphore(%arg7 : memref<!tpu.dma_semaphore, #tpu.memory_space<semaphore_mem>>)
      } else {
      }
      %mul3A_204 = arith.constant 5 : i32
      %mul3A_205 = arith.muli %scan3A_177, %mul3A_204 : i32
      %add3A_206 = arith.constant 0 : i32
      %add3A_207 = arith.addi %mul3A_205, %add3A_206 : i32
      %dma_wait3A_208 = arith.constant 0 : i32
      %dma_wait3A_209 = arith.constant 0 : i32
      %dma_wait3A_210 = arith.constant 0 : i32
      %dma_wait3A_211 = tpu.memref_slice %arg6[%select_n3A_194, %dma_wait3A_208, %dma_wait3A_209, %dma_wait3A_210] : memref<2x5x64x128xf32, #tpu.memory_space<vmem>> -> memref<1x1x64x128xf32, #tpu.memory_space<vmem>>
      %dma_wait3A_212 = tpu.memref_squeeze %dma_wait3A_211 : memref<1x1x64x128xf32, #tpu.memory_space<vmem>> -> memref<64x128xf32, #tpu.memory_space<vmem>>
      %dma_wait3A_213 = arith.constant 0 : i32
      %dma_wait3A_214 = tpu.memref_slice %arg5[%add3A_207, %dma_wait3A_213] : memref<200x64xi32, #tpu.memory_space<vmem>> -> memref<1x64xi32, #tpu.memory_space<vmem>>
      %dma_wait3A_215 = tpu.memref_squeeze %dma_wait3A_214 : memref<1x64xi32, #tpu.memory_space<vmem>> -> memref<64xi32, #tpu.memory_space<vmem>>
      %dma_wait3A_216 = arith.constant 0 : i32
      %dma_wait3A_217 = arith.constant 0 : i32
      %dma_wait3A_218 = tpu.memref_slice %arg3[%dma_wait3A_216, %dma_wait3A_217] : memref<800000x128xf32, #tpu.memory_space<hbm>> -> memref<800000x128xf32, #tpu.memory_space<hbm>>
      tpu.wait_indirect_dma semaphore(%arg7 : memref<!tpu.dma_semaphore, #tpu.memory_space<semaphore_mem>>) src(%dma_wait3A_218 : memref<800000x128xf32, #tpu.memory_space<hbm>>) dst(%dma_wait3A_212 : memref<64x128xf32, #tpu.memory_space<vmem>>)
      %mul3A_219 = arith.constant 64 : i32
      %mul3A_220 = arith.muli %add3A_207, %mul3A_219 : i32
      %add3A_221 = arith.addi %mul3A_2, %mul3A_220 : i32
      %dma_start3A_222 = arith.constant 0 : i32
      %dma_start3A_223 = arith.constant 0 : i32
      %dma_start3A_224 = arith.constant 0 : i32
      %dma_start3A_225 = tpu.memref_slice %arg6[%select_n3A_194, %dma_start3A_222, %dma_start3A_223, %dma_start3A_224] : memref<2x5x64x128xf32, #tpu.memory_space<vmem>> -> memref<1x1x64x128xf32, #tpu.memory_space<vmem>>
      %dma_start3A_226 = tpu.memref_squeeze %dma_start3A_225 : memref<1x1x64x128xf32, #tpu.memory_space<vmem>> -> memref<64x128xf32, #tpu.memory_space<vmem>>
      %dma_start3A_227 = arith.constant 0 : i32
      %dma_start3A_228 = tpu.memref_slice %arg4[%add3A_221, %dma_start3A_227] : memref<409600x128xf32, #tpu.memory_space<hbm>> -> memref<64x128xf32, #tpu.memory_space<hbm>>
      %dma_start3A_229 = arith.constant 0 : i32
      %dma_start3A_230 = tpu.memref_slice %arg4[%add3A_221, %dma_start3A_229] : memref<409600x128xf32, #tpu.memory_space<hbm>> -> memref<64x128xf32, #tpu.memory_space<hbm>>
      %dma_start3A_231 = arith.constant 0 : i32
      %dma_start3A_232 = arith.constant 0 : i32
      %dma_start3A_233 = tpu.memref_slice %arg6[%select_n3A_194, %dma_start3A_222, %dma_start3A_231, %dma_start3A_232] : memref<2x5x64x128xf32, #tpu.memory_space<vmem>> -> memref<1x1x64x128xf32, #tpu.memory_space<vmem>>
      %dma_start3A_234 = tpu.memref_squeeze %dma_start3A_233 : memref<1x1x64x128xf32, #tpu.memory_space<vmem>> -> memref<64x128xf32, #tpu.memory_space<vmem>>
      tpu.enqueue_dma source(%dma_start3A_234 : memref<64x128xf32, #tpu.memory_space<vmem>>) target(%dma_start3A_230 : memref<64x128xf32, #tpu.memory_space<hbm>>) target_semaphore(%arg8 : memref<!tpu.dma_semaphore, #tpu.memory_space<semaphore_mem>>)
      %mul3A_235 = arith.constant 5 : i32
      %mul3A_236 = arith.muli %scan3A_177, %mul3A_235 : i32
      %add3A_237 = arith.constant 1 : i32
      %add3A_238 = arith.addi %mul3A_236, %add3A_237 : i32
      %dma_wait3A_239 = arith.constant 1 : i32
      %dma_wait3A_240 = arith.constant 0 : i32
      %dma_wait3A_241 = arith.constant 0 : i32
      %dma_wait3A_242 = tpu.memref_slice %arg6[%select_n3A_194, %dma_wait3A_239, %dma_wait3A_240, %dma_wait3A_241] : memref<2x5x64x128xf32, #tpu.memory_space<vmem>> -> memref<1x1x64x128xf32, #tpu.memory_space<vmem>>
      %dma_wait3A_243 = tpu.memref_squeeze %dma_wait3A_242 : memref<1x1x64x128xf32, #tpu.memory_space<vmem>> -> memref<64x128xf32, #tpu.memory_space<vmem>>
      %dma_wait3A_244 = arith.constant 0 : i32
      %dma_wait3A_245 = tpu.memref_slice %arg5[%add3A_238, %dma_wait3A_244] : memref<200x64xi32, #tpu.memory_space<vmem>> -> memref<1x64xi32, #tpu.memory_space<vmem>>
      %dma_wait3A_246 = tpu.memref_squeeze %dma_wait3A_245 : memref<1x64xi32, #tpu.memory_space<vmem>> -> memref<64xi32, #tpu.memory_space<vmem>>
      %dma_wait3A_247 = arith.constant 0 : i32
      %dma_wait3A_248 = arith.constant 0 : i32
      %dma_wait3A_249 = tpu.memref_slice %arg3[%dma_wait3A_247, %dma_wait3A_248] : memref<800000x128xf32, #tpu.memory_space<hbm>> -> memref<800000x128xf32, #tpu.memory_space<hbm>>
      tpu.wait_indirect_dma semaphore(%arg7 : memref<!tpu.dma_semaphore, #tpu.memory_space<semaphore_mem>>) src(%dma_wait3A_249 : memref<800000x128xf32, #tpu.memory_space<hbm>>) dst(%dma_wait3A_243 : memref<64x128xf32, #tpu.memory_space<vmem>>)
      %mul3A_250 = arith.constant 64 : i32
      %mul3A_251 = arith.muli %add3A_238, %mul3A_250 : i32
      %add3A_252 = arith.addi %mul3A_2, %mul3A_251 : i32
      %dma_start3A_253 = arith.constant 1 : i32
      %dma_start3A_254 = arith.constant 0 : i32
      %dma_start3A_255 = arith.constant 0 : i32
      %dma_start3A_256 = tpu.memref_slice %arg6[%select_n3A_194, %dma_start3A_253, %dma_start3A_254, %dma_start3A_255] : memref<2x5x64x128xf32, #tpu.memory_space<vmem>> -> memref<1x1x64x128xf32, #tpu.memory_space<vmem>>
      %dma_start3A_257 = tpu.memref_squeeze %dma_start3A_256 : memref<1x1x64x128xf32, #tpu.memory_space<vmem>> -> memref<64x128xf32, #tpu.memory_space<vmem>>
      %dma_start3A_258 = arith.constant 0 : i32
      %dma_start3A_259 = tpu.memref_slice %arg4[%add3A_252, %dma_start3A_258] : memref<409600x128xf32, #tpu.memory_space<hbm>> -> memref<64x128xf32, #tpu.memory_space<hbm>>
      %dma_start3A_260 = arith.constant 0 : i32
      %dma_start3A_261 = tpu.memref_slice %arg4[%add3A_252, %dma_start3A_260] : memref<409600x128xf32, #tpu.memory_space<hbm>> -> memref<64x128xf32, #tpu.memory_space<hbm>>
      %dma_start3A_262 = arith.constant 0 : i32
      %dma_start3A_263 = arith.constant 0 : i32
      %dma_start3A_264 = tpu.memref_slice %arg6[%select_n3A_194, %dma_start3A_253, %dma_start3A_262, %dma_start3A_263] : memref<2x5x64x128xf32, #tpu.memory_space<vmem>> -> memref<1x1x64x128xf32, #tpu.memory_space<vmem>>
      %dma_start3A_265 = tpu.memref_squeeze %dma_start3A_264 : memref<1x1x64x128xf32, #tpu.memory_space<vmem>> -> memref<64x128xf32, #tpu.memory_space<vmem>>
      tpu.enqueue_dma source(%dma_start3A_265 : memref<64x128xf32, #tpu.memory_space<vmem>>) target(%dma_start3A_261 : memref<64x128xf32, #tpu.memory_space<hbm>>) target_semaphore(%arg8 : memref<!tpu.dma_semaphore, #tpu.memory_space<semaphore_mem>>)
      %mul3A_266 = arith.constant 5 : i32
      %mul3A_267 = arith.muli %scan3A_177, %mul3A_266 : i32
      %add3A_268 = arith.constant 2 : i32
      %add3A_269 = arith.addi %mul3A_267, %add3A_268 : i32
      %dma_wait3A_270 = arith.constant 2 : i32
      %dma_wait3A_271 = arith.constant 0 : i32
      %dma_wait3A_272 = arith.constant 0 : i32
      %dma_wait3A_273 = tpu.memref_slice %arg6[%select_n3A_194, %dma_wait3A_270, %dma_wait3A_271, %dma_wait3A_272] : memref<2x5x64x128xf32, #tpu.memory_space<vmem>> -> memref<1x1x64x128xf32, #tpu.memory_space<vmem>>
      %dma_wait3A_274 = tpu.memref_squeeze %dma_wait3A_273 : memref<1x1x64x128xf32, #tpu.memory_space<vmem>> -> memref<64x128xf32, #tpu.memory_space<vmem>>
      %dma_wait3A_275 = arith.constant 0 : i32
      %dma_wait3A_276 = tpu.memref_slice %arg5[%add3A_269, %dma_wait3A_275] : memref<200x64xi32, #tpu.memory_space<vmem>> -> memref<1x64xi32, #tpu.memory_space<vmem>>
      %dma_wait3A_277 = tpu.memref_squeeze %dma_wait3A_276 : memref<1x64xi32, #tpu.memory_space<vmem>> -> memref<64xi32, #tpu.memory_space<vmem>>
      %dma_wait3A_278 = arith.constant 0 : i32
      %dma_wait3A_279 = arith.constant 0 : i32
      %dma_wait3A_280 = tpu.memref_slice %arg3[%dma_wait3A_278, %dma_wait3A_279] : memref<800000x128xf32, #tpu.memory_space<hbm>> -> memref<800000x128xf32, #tpu.memory_space<hbm>>
      tpu.wait_indirect_dma semaphore(%arg7 : memref<!tpu.dma_semaphore, #tpu.memory_space<semaphore_mem>>) src(%dma_wait3A_280 : memref<800000x128xf32, #tpu.memory_space<hbm>>) dst(%dma_wait3A_274 : memref<64x128xf32, #tpu.memory_space<vmem>>)
      %mul3A_281 = arith.constant 64 : i32
      %mul3A_282 = arith.muli %add3A_269, %mul3A_281 : i32
      %add3A_283 = arith.addi %mul3A_2, %mul3A_282 : i32
      %dma_start3A_284 = arith.constant 2 : i32
      %dma_start3A_285 = arith.constant 0 : i32
      %dma_start3A_286 = arith.constant 0 : i32
      %dma_start3A_287 = tpu.memref_slice %arg6[%select_n3A_194, %dma_start3A_284, %dma_start3A_285, %dma_start3A_286] : memref<2x5x64x128xf32, #tpu.memory_space<vmem>> -> memref<1x1x64x128xf32, #tpu.memory_space<vmem>>
      %dma_start3A_288 = tpu.memref_squeeze %dma_start3A_287 : memref<1x1x64x128xf32, #tpu.memory_space<vmem>> -> memref<64x128xf32, #tpu.memory_space<vmem>>
      %dma_start3A_289 = arith.constant 0 : i32
      %dma_start3A_290 = tpu.memref_slice %arg4[%add3A_283, %dma_start3A_289] : memref<409600x128xf32, #tpu.memory_space<hbm>> -> memref<64x128xf32, #tpu.memory_space<hbm>>
      %dma_start3A_291 = arith.constant 0 : i32
      %dma_start3A_292 = tpu.memref_slice %arg4[%add3A_283, %dma_start3A_291] : memref<409600x128xf32, #tpu.memory_space<hbm>> -> memref<64x128xf32, #tpu.memory_space<hbm>>
      %dma_start3A_293 = arith.constant 0 : i32
      %dma_start3A_294 = arith.constant 0 : i32
      %dma_start3A_295 = tpu.memref_slice %arg6[%select_n3A_194, %dma_start3A_284, %dma_start3A_293, %dma_start3A_294] : memref<2x5x64x128xf32, #tpu.memory_space<vmem>> -> memref<1x1x64x128xf32, #tpu.memory_space<vmem>>
      %dma_start3A_296 = tpu.memref_squeeze %dma_start3A_295 : memref<1x1x64x128xf32, #tpu.memory_space<vmem>> -> memref<64x128xf32, #tpu.memory_space<vmem>>
      tpu.enqueue_dma source(%dma_start3A_296 : memref<64x128xf32, #tpu.memory_space<vmem>>) target(%dma_start3A_292 : memref<64x128xf32, #tpu.memory_space<hbm>>) target_semaphore(%arg8 : memref<!tpu.dma_semaphore, #tpu.memory_space<semaphore_mem>>)
      %mul3A_297 = arith.constant 5 : i32
      %mul3A_298 = arith.muli %scan3A_177, %mul3A_297 : i32
      %add3A_299 = arith.constant 3 : i32
      %add3A_300 = arith.addi %mul3A_298, %add3A_299 : i32
      %dma_wait3A_301 = arith.constant 3 : i32
      %dma_wait3A_302 = arith.constant 0 : i32
      %dma_wait3A_303 = arith.constant 0 : i32
      %dma_wait3A_304 = tpu.memref_slice %arg6[%select_n3A_194, %dma_wait3A_301, %dma_wait3A_302, %dma_wait3A_303] : memref<2x5x64x128xf32, #tpu.memory_space<vmem>> -> memref<1x1x64x128xf32, #tpu.memory_space<vmem>>
      %dma_wait3A_305 = tpu.memref_squeeze %dma_wait3A_304 : memref<1x1x64x128xf32, #tpu.memory_space<vmem>> -> memref<64x128xf32, #tpu.memory_space<vmem>>
      %dma_wait3A_306 = arith.constant 0 : i32
      %dma_wait3A_307 = tpu.memref_slice %arg5[%add3A_300, %dma_wait3A_306] : memref<200x64xi32, #tpu.memory_space<vmem>> -> memref<1x64xi32, #tpu.memory_space<vmem>>
      %dma_wait3A_308 = tpu.memref_squeeze %dma_wait3A_307 : memref<1x64xi32, #tpu.memory_space<vmem>> -> memref<64xi32, #tpu.memory_space<vmem>>
      %dma_wait3A_309 = arith.constant 0 : i32
      %dma_wait3A_310 = arith.constant 0 : i32
      %dma_wait3A_311 = tpu.memref_slice %arg3[%dma_wait3A_309, %dma_wait3A_310] : memref<800000x128xf32, #tpu.memory_space<hbm>> -> memref<800000x128xf32, #tpu.memory_space<hbm>>
      tpu.wait_indirect_dma semaphore(%arg7 : memref<!tpu.dma_semaphore, #tpu.memory_space<semaphore_mem>>) src(%dma_wait3A_311 : memref<800000x128xf32, #tpu.memory_space<hbm>>) dst(%dma_wait3A_305 : memref<64x128xf32, #tpu.memory_space<vmem>>)
      %mul3A_312 = arith.constant 64 : i32
      %mul3A_313 = arith.muli %add3A_300, %mul3A_312 : i32
      %add3A_314 = arith.addi %mul3A_2, %mul3A_313 : i32
      %dma_start3A_315 = arith.constant 3 : i32
      %dma_start3A_316 = arith.constant 0 : i32
      %dma_start3A_317 = arith.constant 0 : i32
      %dma_start3A_318 = tpu.memref_slice %arg6[%select_n3A_194, %dma_start3A_315, %dma_start3A_316, %dma_start3A_317] : memref<2x5x64x128xf32, #tpu.memory_space<vmem>> -> memref<1x1x64x128xf32, #tpu.memory_space<vmem>>
      %dma_start3A_319 = tpu.memref_squeeze %dma_start3A_318 : memref<1x1x64x128xf32, #tpu.memory_space<vmem>> -> memref<64x128xf32, #tpu.memory_space<vmem>>
      %dma_start3A_320 = arith.constant 0 : i32
      %dma_start3A_321 = tpu.memref_slice %arg4[%add3A_314, %dma_start3A_320] : memref<409600x128xf32, #tpu.memory_space<hbm>> -> memref<64x128xf32, #tpu.memory_space<hbm>>
      %dma_start3A_322 = arith.constant 0 : i32
      %dma_start3A_323 = tpu.memref_slice %arg4[%add3A_314, %dma_start3A_322] : memref<409600x128xf32, #tpu.memory_space<hbm>> -> memref<64x128xf32, #tpu.memory_space<hbm>>
      %dma_start3A_324 = arith.constant 0 : i32
      %dma_start3A_325 = arith.constant 0 : i32
      %dma_start3A_326 = tpu.memref_slice %arg6[%select_n3A_194, %dma_start3A_315, %dma_start3A_324, %dma_start3A_325] : memref<2x5x64x128xf32, #tpu.memory_space<vmem>> -> memref<1x1x64x128xf32, #tpu.memory_space<vmem>>
      %dma_start3A_327 = tpu.memref_squeeze %dma_start3A_326 : memref<1x1x64x128xf32, #tpu.memory_space<vmem>> -> memref<64x128xf32, #tpu.memory_space<vmem>>
      tpu.enqueue_dma source(%dma_start3A_327 : memref<64x128xf32, #tpu.memory_space<vmem>>) target(%dma_start3A_323 : memref<64x128xf32, #tpu.memory_space<hbm>>) target_semaphore(%arg8 : memref<!tpu.dma_semaphore, #tpu.memory_space<semaphore_mem>>)
      %mul3A_328 = arith.constant 5 : i32
      %mul3A_329 = arith.muli %scan3A_177, %mul3A_328 : i32
      %add3A_330 = arith.constant 4 : i32
      %add3A_331 = arith.addi %mul3A_329, %add3A_330 : i32
      %dma_wait3A_332 = arith.constant 4 : i32
      %dma_wait3A_333 = arith.constant 0 : i32
      %dma_wait3A_334 = arith.constant 0 : i32
      %dma_wait3A_335 = tpu.memref_slice %arg6[%select_n3A_194, %dma_wait3A_332, %dma_wait3A_333, %dma_wait3A_334] : memref<2x5x64x128xf32, #tpu.memory_space<vmem>> -> memref<1x1x64x128xf32, #tpu.memory_space<vmem>>
      %dma_wait3A_336 = tpu.memref_squeeze %dma_wait3A_335 : memref<1x1x64x128xf32, #tpu.memory_space<vmem>> -> memref<64x128xf32, #tpu.memory_space<vmem>>
      %dma_wait3A_337 = arith.constant 0 : i32
      %dma_wait3A_338 = tpu.memref_slice %arg5[%add3A_331, %dma_wait3A_337] : memref<200x64xi32, #tpu.memory_space<vmem>> -> memref<1x64xi32, #tpu.memory_space<vmem>>
      %dma_wait3A_339 = tpu.memref_squeeze %dma_wait3A_338 : memref<1x64xi32, #tpu.memory_space<vmem>> -> memref<64xi32, #tpu.memory_space<vmem>>
      %dma_wait3A_340 = arith.constant 0 : i32
      %dma_wait3A_341 = arith.constant 0 : i32
      %dma_wait3A_342 = tpu.memref_slice %arg3[%dma_wait3A_340, %dma_wait3A_341] : memref<800000x128xf32, #tpu.memory_space<hbm>> -> memref<800000x128xf32, #tpu.memory_space<hbm>>
      tpu.wait_indirect_dma semaphore(%arg7 : memref<!tpu.dma_semaphore, #tpu.memory_space<semaphore_mem>>) src(%dma_wait3A_342 : memref<800000x128xf32, #tpu.memory_space<hbm>>) dst(%dma_wait3A_336 : memref<64x128xf32, #tpu.memory_space<vmem>>)
      %mul3A_343 = arith.constant 64 : i32
      %mul3A_344 = arith.muli %add3A_331, %mul3A_343 : i32
      %add3A_345 = arith.addi %mul3A_2, %mul3A_344 : i32
      %dma_start3A_346 = arith.constant 4 : i32
      %dma_start3A_347 = arith.constant 0 : i32
      %dma_start3A_348 = arith.constant 0 : i32
      %dma_start3A_349 = tpu.memref_slice %arg6[%select_n3A_194, %dma_start3A_346, %dma_start3A_347, %dma_start3A_348] : memref<2x5x64x128xf32, #tpu.memory_space<vmem>> -> memref<1x1x64x128xf32, #tpu.memory_space<vmem>>
      %dma_start3A_350 = tpu.memref_squeeze %dma_start3A_349 : memref<1x1x64x128xf32, #tpu.memory_space<vmem>> -> memref<64x128xf32, #tpu.memory_space<vmem>>
      %dma_start3A_351 = arith.constant 0 : i32
      %dma_start3A_352 = tpu.memref_slice %arg4[%add3A_345, %dma_start3A_351] : memref<409600x128xf32, #tpu.memory_space<hbm>> -> memref<64x128xf32, #tpu.memory_space<hbm>>
      %dma_start3A_353 = arith.constant 0 : i32
      %dma_start3A_354 = tpu.memref_slice %arg4[%add3A_345, %dma_start3A_353] : memref<409600x128xf32, #tpu.memory_space<hbm>> -> memref<64x128xf32, #tpu.memory_space<hbm>>
      %dma_start3A_355 = arith.constant 0 : i32
      %dma_start3A_356 = arith.constant 0 : i32
      %dma_start3A_357 = tpu.memref_slice %arg6[%select_n3A_194, %dma_start3A_346, %dma_start3A_355, %dma_start3A_356] : memref<2x5x64x128xf32, #tpu.memory_space<vmem>> -> memref<1x1x64x128xf32, #tpu.memory_space<vmem>>
      %dma_start3A_358 = tpu.memref_squeeze %dma_start3A_357 : memref<1x1x64x128xf32, #tpu.memory_space<vmem>> -> memref<64x128xf32, #tpu.memory_space<vmem>>
      tpu.enqueue_dma source(%dma_start3A_358 : memref<64x128xf32, #tpu.memory_space<vmem>>) target(%dma_start3A_354 : memref<64x128xf32, #tpu.memory_space<hbm>>) target_semaphore(%arg8 : memref<!tpu.dma_semaphore, #tpu.memory_space<semaphore_mem>>)
      %scan3A_359 = arith.constant 0 : i32
      scf.yield %scan3A_359 : i32
    }
    %scan3A_97 = arith.constant 40 : i32
    %add3A_98 = arith.constant 12480 : i32
    %add3A_99 = arith.addi %mul3A_2, %add3A_98 : i32
    %dma_wait3A = arith.constant 1 : i32
    %dma_wait3A_100 = arith.constant 0 : i32
    %dma_wait3A_101 = arith.constant 0 : i32
    %dma_wait3A_102 = arith.constant 0 : i32
    %dma_wait3A_103 = tpu.memref_slice %arg6[%dma_wait3A, %dma_wait3A_100, %dma_wait3A_101, %dma_wait3A_102] : memref<2x5x64x128xf32, #tpu.memory_space<vmem>> -> memref<1x1x64x128xf32, #tpu.memory_space<vmem>>
    %dma_wait3A_104 = tpu.memref_squeeze %dma_wait3A_103 : memref<1x1x64x128xf32, #tpu.memory_space<vmem>> -> memref<64x128xf32, #tpu.memory_space<vmem>>
    %dma_wait3A_105 = arith.constant 0 : i32
    %dma_wait3A_106 = tpu.memref_slice %arg4[%add3A_99, %dma_wait3A_105] : memref<409600x128xf32, #tpu.memory_space<hbm>> -> memref<64x128xf32, #tpu.memory_space<hbm>>
    %dma_wait3A_107 = arith.constant 0 : i32
    %dma_wait3A_108 = tpu.memref_slice %arg4[%add3A_99, %dma_wait3A_107] : memref<409600x128xf32, #tpu.memory_space<hbm>> -> memref<64x128xf32, #tpu.memory_space<hbm>>
    %dma_wait3A_109 = arith.constant 0 : i32
    %dma_wait3A_110 = arith.constant 0 : i32
    %dma_wait3A_111 = tpu.memref_slice %arg6[%dma_wait3A, %dma_wait3A_100, %dma_wait3A_109, %dma_wait3A_110] : memref<2x5x64x128xf32, #tpu.memory_space<vmem>> -> memref<1x1x64x128xf32, #tpu.memory_space<vmem>>
    %dma_wait3A_112 = tpu.memref_squeeze %dma_wait3A_111 : memref<1x1x64x128xf32, #tpu.memory_space<vmem>> -> memref<64x128xf32, #tpu.memory_space<vmem>>
    tpu.wait_dma2 semaphore(%arg8 : memref<!tpu.dma_semaphore, #tpu.memory_space<semaphore_mem>>) src(%dma_wait3A_112 : memref<64x128xf32, #tpu.memory_space<vmem>>) dst(%dma_wait3A_108 : memref<64x128xf32, #tpu.memory_space<hbm>>)
    %add3A_113 = arith.constant 12544 : i32
    %add3A_114 = arith.addi %mul3A_2, %add3A_113 : i32
    %dma_wait3A_115 = arith.constant 1 : i32
    %dma_wait3A_116 = arith.constant 1 : i32
    %dma_wait3A_117 = arith.constant 0 : i32
    %dma_wait3A_118 = arith.constant 0 : i32
    %dma_wait3A_119 = tpu.memref_slice %arg6[%dma_wait3A_115, %dma_wait3A_116, %dma_wait3A_117, %dma_wait3A_118] : memref<2x5x64x128xf32, #tpu.memory_space<vmem>> -> memref<1x1x64x128xf32, #tpu.memory_space<vmem>>
    %dma_wait3A_120 = tpu.memref_squeeze %dma_wait3A_119 : memref<1x1x64x128xf32, #tpu.memory_space<vmem>> -> memref<64x128xf32, #tpu.memory_space<vmem>>
    %dma_wait3A_121 = arith.constant 0 : i32
    %dma_wait3A_122 = tpu.memref_slice %arg4[%add3A_114, %dma_wait3A_121] : memref<409600x128xf32, #tpu.memory_space<hbm>> -> memref<64x128xf32, #tpu.memory_space<hbm>>
    %dma_wait3A_123 = arith.constant 0 : i32
    %dma_wait3A_124 = tpu.memref_slice %arg4[%add3A_114, %dma_wait3A_123] : memref<409600x128xf32, #tpu.memory_space<hbm>> -> memref<64x128xf32, #tpu.memory_space<hbm>>
    %dma_wait3A_125 = arith.constant 0 : i32
    %dma_wait3A_126 = arith.constant 0 : i32
    %dma_wait3A_127 = tpu.memref_slice %arg6[%dma_wait3A_115, %dma_wait3A_116, %dma_wait3A_125, %dma_wait3A_126] : memref<2x5x64x128xf32, #tpu.memory_space<vmem>> -> memref<1x1x64x128xf32, #tpu.memory_space<vmem>>
    %dma_wait3A_128 = tpu.memref_squeeze %dma_wait3A_127 : memref<1x1x64x128xf32, #tpu.memory_space<vmem>> -> memref<64x128xf32, #tpu.memory_space<vmem>>
    tpu.wait_dma2 semaphore(%arg8 : memref<!tpu.dma_semaphore, #tpu.memory_space<semaphore_mem>>) src(%dma_wait3A_128 : memref<64x128xf32, #tpu.memory_space<vmem>>) dst(%dma_wait3A_124 : memref<64x128xf32, #tpu.memory_space<hbm>>)
    %add3A_129 = arith.constant 12608 : i32
    %add3A_130 = arith.addi %mul3A_2, %add3A_129 : i32
    %dma_wait3A_131 = arith.constant 1 : i32
    %dma_wait3A_132 = arith.constant 2 : i32
    %dma_wait3A_133 = arith.constant 0 : i32
    %dma_wait3A_134 = arith.constant 0 : i32
    %dma_wait3A_135 = tpu.memref_slice %arg6[%dma_wait3A_131, %dma_wait3A_132, %dma_wait3A_133, %dma_wait3A_134] : memref<2x5x64x128xf32, #tpu.memory_space<vmem>> -> memref<1x1x64x128xf32, #tpu.memory_space<vmem>>
    %dma_wait3A_136 = tpu.memref_squeeze %dma_wait3A_135 : memref<1x1x64x128xf32, #tpu.memory_space<vmem>> -> memref<64x128xf32, #tpu.memory_space<vmem>>
    %dma_wait3A_137 = arith.constant 0 : i32
    %dma_wait3A_138 = tpu.memref_slice %arg4[%add3A_130, %dma_wait3A_137] : memref<409600x128xf32, #tpu.memory_space<hbm>> -> memref<64x128xf32, #tpu.memory_space<hbm>>
    %dma_wait3A_139 = arith.constant 0 : i32
    %dma_wait3A_140 = tpu.memref_slice %arg4[%add3A_130, %dma_wait3A_139] : memref<409600x128xf32, #tpu.memory_space<hbm>> -> memref<64x128xf32, #tpu.memory_space<hbm>>
    %dma_wait3A_141 = arith.constant 0 : i32
    %dma_wait3A_142 = arith.constant 0 : i32
    %dma_wait3A_143 = tpu.memref_slice %arg6[%dma_wait3A_131, %dma_wait3A_132, %dma_wait3A_141, %dma_wait3A_142] : memref<2x5x64x128xf32, #tpu.memory_space<vmem>> -> memref<1x1x64x128xf32, #tpu.memory_space<vmem>>
    %dma_wait3A_144 = tpu.memref_squeeze %dma_wait3A_143 : memref<1x1x64x128xf32, #tpu.memory_space<vmem>> -> memref<64x128xf32, #tpu.memory_space<vmem>>
    tpu.wait_dma2 semaphore(%arg8 : memref<!tpu.dma_semaphore, #tpu.memory_space<semaphore_mem>>) src(%dma_wait3A_144 : memref<64x128xf32, #tpu.memory_space<vmem>>) dst(%dma_wait3A_140 : memref<64x128xf32, #tpu.memory_space<hbm>>)
    %add3A_145 = arith.constant 12672 : i32
    %add3A_146 = arith.addi %mul3A_2, %add3A_145 : i32
    %dma_wait3A_147 = arith.constant 1 : i32
    %dma_wait3A_148 = arith.constant 3 : i32
    %dma_wait3A_149 = arith.constant 0 : i32
    %dma_wait3A_150 = arith.constant 0 : i32
    %dma_wait3A_151 = tpu.memref_slice %arg6[%dma_wait3A_147, %dma_wait3A_148, %dma_wait3A_149, %dma_wait3A_150] : memref<2x5x64x128xf32, #tpu.memory_space<vmem>> -> memref<1x1x64x128xf32, #tpu.memory_space<vmem>>
    %dma_wait3A_152 = tpu.memref_squeeze %dma_wait3A_151 : memref<1x1x64x128xf32, #tpu.memory_space<vmem>> -> memref<64x128xf32, #tpu.memory_space<vmem>>
    %dma_wait3A_153 = arith.constant 0 : i32
    %dma_wait3A_154 = tpu.memref_slice %arg4[%add3A_146, %dma_wait3A_153] : memref<409600x128xf32, #tpu.memory_space<hbm>> -> memref<64x128xf32, #tpu.memory_space<hbm>>
    %dma_wait3A_155 = arith.constant 0 : i32
    %dma_wait3A_156 = tpu.memref_slice %arg4[%add3A_146, %dma_wait3A_155] : memref<409600x128xf32, #tpu.memory_space<hbm>> -> memref<64x128xf32, #tpu.memory_space<hbm>>
    %dma_wait3A_157 = arith.constant 0 : i32
    %dma_wait3A_158 = arith.constant 0 : i32
    %dma_wait3A_159 = tpu.memref_slice %arg6[%dma_wait3A_147, %dma_wait3A_148, %dma_wait3A_157, %dma_wait3A_158] : memref<2x5x64x128xf32, #tpu.memory_space<vmem>> -> memref<1x1x64x128xf32, #tpu.memory_space<vmem>>
    %dma_wait3A_160 = tpu.memref_squeeze %dma_wait3A_159 : memref<1x1x64x128xf32, #tpu.memory_space<vmem>> -> memref<64x128xf32, #tpu.memory_space<vmem>>
    tpu.wait_dma2 semaphore(%arg8 : memref<!tpu.dma_semaphore, #tpu.memory_space<semaphore_mem>>) src(%dma_wait3A_160 : memref<64x128xf32, #tpu.memory_space<vmem>>) dst(%dma_wait3A_156 : memref<64x128xf32, #tpu.memory_space<hbm>>)
    %add3A_161 = arith.constant 12736 : i32
    %add3A_162 = arith.addi %mul3A_2, %add3A_161 : i32
    %dma_wait3A_163 = arith.constant 1 : i32
    %dma_wait3A_164 = arith.constant 4 : i32
    %dma_wait3A_165 = arith.constant 0 : i32
    %dma_wait3A_166 = arith.constant 0 : i32
    %dma_wait3A_167 = tpu.memref_slice %arg6[%dma_wait3A_163, %dma_wait3A_164, %dma_wait3A_165, %dma_wait3A_166] : memref<2x5x64x128xf32, #tpu.memory_space<vmem>> -> memref<1x1x64x128xf32, #tpu.memory_space<vmem>>
    %dma_wait3A_168 = tpu.memref_squeeze %dma_wait3A_167 : memref<1x1x64x128xf32, #tpu.memory_space<vmem>> -> memref<64x128xf32, #tpu.memory_space<vmem>>
    %dma_wait3A_169 = arith.constant 0 : i32
    %dma_wait3A_170 = tpu.memref_slice %arg4[%add3A_162, %dma_wait3A_169] : memref<409600x128xf32, #tpu.memory_space<hbm>> -> memref<64x128xf32, #tpu.memory_space<hbm>>
    %dma_wait3A_171 = arith.constant 0 : i32
    %dma_wait3A_172 = tpu.memref_slice %arg4[%add3A_162, %dma_wait3A_171] : memref<409600x128xf32, #tpu.memory_space<hbm>> -> memref<64x128xf32, #tpu.memory_space<hbm>>
    %dma_wait3A_173 = arith.constant 0 : i32
    %dma_wait3A_174 = arith.constant 0 : i32
    %dma_wait3A_175 = tpu.memref_slice %arg6[%dma_wait3A_163, %dma_wait3A_164, %dma_wait3A_173, %dma_wait3A_174] : memref<2x5x64x128xf32, #tpu.memory_space<vmem>> -> memref<1x1x64x128xf32, #tpu.memory_space<vmem>>
    %dma_wait3A_176 = tpu.memref_squeeze %dma_wait3A_175 : memref<1x1x64x128xf32, #tpu.memory_space<vmem>> -> memref<64x128xf32, #tpu.memory_space<vmem>>
    tpu.wait_dma2 semaphore(%arg8 : memref<!tpu.dma_semaphore, #tpu.memory_space<semaphore_mem>>) src(%dma_wait3A_176 : memref<64x128xf32, #tpu.memory_space<vmem>>) dst(%dma_wait3A_172 : memref<64x128xf32, #tpu.memory_space<hbm>>)
    return
  }
}

</mosaic_0001>

<sc_bundles>
// kernel: kernel.3.cloned.1.call-start
scs
__scs_entry_jumppad:
0x0: {  	(pc) =	sbr.rel $0x88, $3  }
0x1: {  	(tag) =	ssettag $0x0;
	lr =	simm.s32 $0x1  }
0x2: {  	[smem:$0x3F9F] =	sst lr;
	_ =	strace $0xD0000000  }
0x3: {  	_ = 	snop  }
0x4: {  	_ = 	snop  }
0x5: {  	_ = 	snop  }
0x6: {  	_ = 	snop  }
0x7: {  	_ = 	snop  }
__scs_overlays_trampoline_lowered:
0x8: {  	[smem:$0x3FAE] =	sst s0  }
0x9: {  	[smem:$0x3FAF] =	sst s1  }
0xa: {  	[smem:$0x3FB0] =	sst s2  }
0xb: {  	[smem:$0x3FB1] =	sst s3  }
0xc: {  	[smem:$0x3FB2] =	sst s4  }
0xd: {  	[smem:$0x3FB3] =	sst s5  }
0xe: {  	[smem:$0x3FB4] =	sst s6  }
0xf: {  	[smem:$0x3FB5] =	sst s7  }
0x10: {  	[smem:$0x3FB6] =	sst s8  }
0x11: {  	[smem:$0x3FB7] =	sst s9;
	s0 =	simm.s32 @!p0 $0x0  }
0x12: {  	s1 =	sld [smem:$0x3F9D];
	s0 =	simm.s32 @p0 $0x1  }
0x13: {  	[smem:$0x3FB8] =	sst s0;
	s0 =	simm.s32 @!p1 $0x0  }
0x14: {  	s2 =	sld [smem:$0x3F9C];
	s0 =	simm.s32 @p1 $0x1  }
0x15: {  	[smem:$0x3FB9] =	sst s0;
	s0 =	simm.s32 @!p2 $0x0  }
0x16: {  	s3 =	sld [smem:$0x3FDB];
	s0 =	simm.s32 @p2 $0x1  }
0x17: {  	s4 =	simm.s32 $0x1BF5;
	[smem:$0x3FBB] =	sst s0  }
0x18: {  	s0 =	sld [smem:$0x3F9E];
	_ =	swait.ge [sflag:s4], $0x0  }
0x19: {  	s7 =	sld [smem:$0x3F9F]  }
0x1a: {  	s8 =	sadd.s32 $0xFFFFE003, lr  }
0x1b: {  	s9 =	sadd.s32 $0xFFFFFEF7, lr;
	s5 =	simm.s32 $0xFFFFFFFF;
	p2 =	slt.u32 s8, $0xFFFFF086  }
0x1c: {  	p1 =	slt.u32 s9, $0xF7A;
	s5 =	simm.s32 @!p2 $0x0  }
0x1d: {  	s5 =	simm.s32 @p1 $0x1;
	p0 =	seq.s32 s7, s2  }
0x1e: {  	s7 =	smul.u32 @!p0 $0xF7A, s2;
	p2 =	seq.s32 @!p0 s5, $0x0  }
0x1f: {  	s9 =	smul.u32 $0xF7A, s1;
	s8 =	simm.s32 @!p0 $0x1BF5;
	p2 =	por !p2, p0  }
0x20: {  	[sflag:s8] =	ssyncset.s32 @!p0 $0xFFFFF086;
	s6 =	sadd.s32 @!p0 s3, s7;
	s7 =	simm.s32 @!p0 $0x108  }
0x21: {  	s3 =	sadd.s32 s3, s9;
	s6 =	sadd.s32 @!p0 $0x88, s6;
	s7 =	simm.s32 @p2 $0x1082  }
0x22: {  	[simem:s7], [sflag:s8] =	dma.local @!p0 [hbm:s6], $0xF7A  }
0x23: {  	s9 =	sor.u32 $0xD0000000, s2;
	s6 =	simm.s32 $0x108;
	_ =	swait.ge @!p0 [sflag:s8], $0x0  }
0x24: {  	s3 =	sadd.s32 $0x88, s3;
	s6 =	simm.s32 @!p1 $0x1082;
	[sflag:s4] =	ssyncset.s32 $0xFFFFF086  }
0x25: {  	[simem:s6], [sflag:s4] =	dma.local [hbm:s3], $0xF7A  }
0x26: {  	[smem:$0x3F9F] =	sst s1;
	(tag) =	ssettag s2;
	_ =	strace s9  }
0x27: {  	s1 =	sld [smem:$0x3FAF]  }
0x28: {  	s2 =	sld [smem:$0x3FB0]  }
0x29: {  	s4 =	sld [smem:$0x3FB2]  }
0x2a: {  	p0 =	seq.s32 s5, $0x0;
	s5 =	sld [smem:$0x3FB3]  }
0x2b: {  	s6 =	sld [smem:$0x3FB4]  }
0x2c: {  	s7 =	sld [smem:$0x3FB5]  }
0x2d: {  	s3 =	simm.s32 $0x108;
	s8 =	sld [smem:$0x3FB6]  }
0x2e: {  	s3 =	simm.s32 @!p0 $0x1082;
	s9 =	sld [smem:$0x3FB7]  }
0x2f: {  	lr =	sadd.s32 s0, s3;
	s0 =	sld [smem:$0x3FAE]  }
0x30: {  	s3 =	sld [smem:$0x3FB1]  }
0x31: {  	[smem:$0x3FBA] =	sst s10  }
0x32: {  	s10 =	sld [smem:$0x3FB8];
	_ =	sdelay $0x3  }
0x33: {  	p0 =	seq.s32 s10, $0x1;
	s10 =	sld [smem:$0x3FBA];
	_ =	sdelay $0x3  }
0x34: {  	[smem:$0x3FBA] =	sst s10  }
0x35: {  	s10 =	sld [smem:$0x3FB9];
	_ =	sdelay $0x3  }
0x36: {  	p1 =	seq.s32 s10, $0x1;
	s10 =	sld [smem:$0x3FBA];
	_ =	sdelay $0x3  }
0x37: {  	[smem:$0x3FBA] =	sst s10  }
0x38: {  	s10 =	sld [smem:$0x3FBB]  }
0x39: {  	_ = 	snop;
	(pc) =	sbr.ind lr, $3  }
0x3a: {  	_ = 	snop  }
0x3b: {  	_ = 	snop  }
0x3c: {  	p2 =	seq.s32 s10, $0x1;
	s10 =	sld [smem:$0x3FBA]  }
0x3d: {  	_ =	shalt  }
0x3e: {  	_ =	shalt  }
0x3f: {  	_ =	shalt  }
0x40: {  	_ =	shalt  }
0x41: {  	_ =	shalt  }
0x42: {  	_ =	shalt  }
0x43: {  	_ =	shalt  }
0x44: {  	_ =	shalt  }
0x45: {  	_ =	shalt  }
0x46: {  	_ =	shalt  }
0x47: {  	_ =	shalt  }
0x48: {  	_ =	shalt  }
0x49: {  	_ =	shalt  }
0x4a: {  	_ =	shalt  }
0x4b: {  	_ =	shalt  }
0x4c: {  	_ =	shalt  }
0x4d: {  	_ =	shalt  }
0x4e: {  	_ =	shalt  }
0x4f: {  	_ =	shalt  }
0x50: {  	_ =	shalt  }
0x51: {  	_ =	shalt  }
0x52: {  	_ =	shalt  }
0x53: {  	_ =	shalt  }
0x54: {  	_ =	shalt  }
0x55: {  	_ =	shalt  }
0x56: {  	_ =	shalt  }
0x57: {  	_ =	shalt  }
0x58: {  	_ =	shalt  }
0x59: {  	_ =	shalt  }
0x5a: {  	_ =	shalt  }
0x5b: {  	_ =	shalt  }
0x5c: {  	_ =	shalt  }
0x5d: {  	_ =	shalt  }
0x5e: {  	_ =	shalt  }
0x5f: {  	_ =	shalt  }
0x60: {  	_ =	shalt  }
0x61: {  	_ =	shalt  }
0x62: {  	_ =	shalt  }
0x63: {  	_ =	shalt  }
0x64: {  	_ =	shalt  }
0x65: {  	_ =	shalt  }
0x66: {  	_ =	shalt  }
0x67: {  	_ =	shalt  }
0x68: {  	_ =	shalt  }
0x69: {  	_ =	shalt  }
0x6a: {  	_ =	shalt  }
0x6b: {  	_ =	shalt  }
0x6c: {  	_ =	shalt  }
0x6d: {  	_ =	shalt  }
0x6e: {  	_ =	shalt  }
0x6f: {  	_ =	shalt  }
0x70: {  	_ =	shalt  }
0x71: {  	_ =	shalt  }
0x72: {  	_ =	shalt  }
0x73: {  	_ =	shalt  }
0x74: {  	_ =	shalt  }
0x75: {  	_ =	shalt  }
0x76: {  	_ =	shalt  }
0x77: {  	_ =	shalt  }
0x78: {  	_ =	shalt  }
0x79: {  	_ =	shalt  }
0x7a: {  	_ =	shalt  }
0x7b: {  	_ =	shalt  }
0x7c: {  	_ =	shalt  }
0x7d: {  	_ =	shalt  }
0x7e: {  	_ =	shalt  }
0x7f: {  	_ =	shalt  }
0x80: {  	_ =	shalt  }
0x81: {  	_ =	shalt  }
0x82: {  	_ =	shalt  }
0x83: {  	_ =	shalt  }
0x84: {  	_ =	shalt  }
0x85: {  	_ =	shalt  }
0x86: {  	_ =	shalt  }
0x87: {  	_ =	shalt  }
.Lfunc_end0:
.L_simem_size_0:
called_computation_lowered:
.L_overlay_start_0:
0x88: {  	s2 =	sld [smem:$0x3FD9]  }
0x89: {  	s3 =	sld [smem:$0x3FFE];
	_ =	sdelay $0x1  }
0x8a: {  	s1 =	srdreg.scid  }
0x8b: {  	s0 =	sand.u32 $0x1, s1  }
0x8c: {  	s17 =	sshll.u32 s0, $0xA;
	s2 =	sadd.s32 s3, s2  }
0x8d: {  	s2 =	sadd.s32 s2, s17  }
0x8e: {  	[smem:$0x3FC6] =	sst s2  }
0x8f: {  	_ = 	snop  }
0x90: {  	s2 =	sld [smem:$0x3FD0];
	(tm) =	ssettm $0x1  }
0x91: {  	s18 =	sld [smem:$0x3FFB];
	_ =	sdelay $0x3  }
0x92: {  	_ =	strace s18  }
0x93: {  	s3 =	sld [smem:$0x3FFC];
	_ =	sdelay $0x3  }
0x94: {  	_ =	strace s3  }
0x95: {  	s3 =	sld [smem:$0x3FFD];
	_ =	sdelay $0x3  }
0x96: {  	_ =	strace s3  }
0x97: {  	_ =	strace $0x8FFFFFFF  }
0x98: {  	s19 =	sld [smem:$0x3FDB];
	_ =	sdelay $0x1  }
0x99: {  	s4 =	simm.s32 $_scs_section_size  }
0x9a: {  	s5 =	simm.s32 $_size__tile_overlayer_lowered;
	s6 =	simm.s32 $_tile_overlayer_lowered  }
0x9b: {  	s22 =	simm.s32 $0x1BFF;
	s21 =	sshll.u32 s6, $0x1;
	s3 =	sadd.s32 s4, s19  }
0x9c: {  	s7 =	simm.s32 $0x0;
	s20 =	sshll.u32 s5, $0x1;
	s5 =	sadd.s32 s21, s3  }
0x9d: {  	[timem:s7], [sflag:s22] =	dma.local [hbm:s5], s20  }
0x9e: {  	_ =	swait.ge [sflag:s22], s20  }
0x9f: {  	s4 =	ssub.s32 $0x0, s20;
	[sflag:s22] =	ssyncset.done $0x0  }
0xa0: {  	[sflag:s22] =	ssyncadd.s32 s4;
	_ =	sdelay $0x1  }
0xa1: {  	s23 =	simm.s32 $0x1B8B  }
0xa2: {  	_ =	swait.ge [sflag:s23], $0x1  }
0xa3: {  	[sflag:s23] =	ssyncset.done $0x0  }
0xa4: {  	s25 =	simm.s32 $0x1B8E;
	s24 =	sld [smem:$0x3FFE];
	[sflag:s23] =	ssyncadd.s32 $0xFFFFFFFF  }
0xa5: {  	s26 =	simm.s32 $execute0_lowered;
	[smem:$0x3FD2] =	sst s25  }
0xa6: {  	s5 =	sshll.u32 s26, $0x1;
	_ =	strace $0x80000046;
	[dreg:$0x1] =	wrdreg $0xFFFFFFFF  }
0xa7: {  	s28 =	simm.s32 $_size_execute0_lowered;
	s3 =	sadd.s32 s3, s5;
	[dreg:$0x0] =	wrdreg $0x0  }
0xa8: {  	s5 =	sshll.u32 s28, $0x1;
	[dreg:$0x2] =	wrdreg s3  }
0xa9: {  	[dreg:$0x3] =	wrdreg s5  }
0xaa: {  	[dreg:$0x4] =	wrdreg $0xC0  }
0xab: {  	_ =	task [dreg:s7], $0x5FFFF  }
0xac: {  	[dreg:$0x1] =	wrdreg $0xFFFFFFFF  }
0xad: {  	[dreg:$0x0] =	wrdreg $0x60  }
0xae: {  	[dreg:$0x2] =	wrdreg s24  }
0xaf: {  	[dreg:$0x3] =	wrdreg s2  }
0xb0: {  	[dreg:$0x4] =	wrdreg $0x9  }
0xb1: {  	_ =	task.clear_ibuf [dreg:s7], $0x5FFFF;
	_ =	strace $0x90000046  }
0xb2: {  	s29 =	simm.s32 $0x9;
	_ =	strace $0x80000048  }
0xb3: {  	_ =	swait.ge [sflag:s29], $0x1  }
0xb4: {  	[sflag:s29] =	ssyncadd.s32 $0xFFFFFFFF  }
0xb5: {  	_ =	strace $0x90000048  }
0xb6: {  	_ =	sfence  }
0xb7: {  	s30 =	sld [smem:$0x0];
	_ =	sdelay $0x2  }
0xb8: {  	s31 =	sshll.u32 s1, $0xD;
	s1 =	sshrl.u32 s1, $0x2  }
0xb9: {  	s3 =	sand.u32 $0x4000, s31;
	s1 =	sadd.s32 s1, s30  }
0xba: {  	s0 =	sor.u32 s3, s0;
	s1 =	sshll.u32 s1, $0x11  }
0xbb: {  	s0 =	sor.u32 s1, s0  }
0xbc: {  	s0 =	sadd.s32 $0x8F2B, s0  }
0xbd: {  	[sflag:s0] =	ssyncadd.remote.s32 $0x1  }
0xbe: {  	_ =	sfence.sel $0xFFFF  }
0xbf: {  	[dreg:$0x0] =	wrdreg $0xFFFFFFFF;
	(pc) =	sbr.abs _section_cstart, $3  }
0xc0: {  	[dreg:$0x1] =	wrdreg $0xFFFFFFFF  }
0xc1: {  	_ =	task.clear_ibuf [dreg:s7], $0x2FFFF;
	_ =	strace $0x9FFFFFFF  }
0xc2: {  	(tm) =	ssettm $0x7FFFFFFF  }
0xc3: {  	_ =	shalt  }
tec
execute0_lowered:
.L_overlay_start_1:
0x0: {  	(tag) =	ssettag $0x1  }
0x1: {  	s5 =	rddreg [dreg:$0x0];
	s1 =	srdreg.scid  }
0x2: {  	s0 =	stileid.u32;
	s2 =	rddreg [dreg:$0x1];
	s3 =	simm.s32 $0x0  }
0x3: {  	s12 =	simm.s32 $0x3;
	s13 =	simm.s32 $0x40;
	s14 =	simm.s32 $0x6400  }
0x4: {  	s15 =	simm.s32 $0x80;
	s16 =	simm.s32 $0x8400;
	s17 =	simm.s32 $0x100  }
0x5: {  	s18 =	simm.s32 $0xA400;
	s19 =	simm.s32 $0x180;
	s20 =	simm.s32 $0xC400  }
0x6: {  	s21 =	simm.s32 $0x200;
	s4 =	sand.u32 $0x1, s1;
	s6 =	sshll.u32 s0, $0x1  }
0x7: {  	s22 =	simm.s32 $0xE400;
	s23 =	simm.s32 $0x1;
	s6 =	sor.u32 s4, s6  }
0x8: {  	s24 =	simm.s32 $0x2;
	s25 =	simm.s32 $0x0;
	s7 =	smul.u32 $0xC80, s6  }
.Ltmp0:
0x9: {  	[smem:$0x7FF] =	sst s3;
	s8 =	ssub.s32 $0x2, s4;
	(pc) =	sbr.rel .LBB2_1-.Ltmp0, $4  }
0xa: {  	_ =	strace $0x80000047;
	s4 =	smul.u32 $0x3200, s6;
	s31 =	sshrl.u32 s8, $0x1  }
0xb: {  	v0 =	vlaneseq.u32;
	s11 =	ssub.s32 s8, s31;
	s30 =	sadd.s32 s7, s5;
	s5 =	sadd.s32 $0xC4E600, s5  }
0xc: {  	v0 =	vand.u32 $0x7, v0;
	s7 =	sor.u32 $0x40, s4;
	s8 =	sor.u32 $0x80, s4;
	s9 =	sor.u32 $0xC0, s4  }
0xd: {  	v0 =	vmul.u32 $0x186A0, v0;
	s10 =	sor.u32 $0x100, s4;
	s11 =	smax.u32 s11, $0x1;
	s6 =	sadd.s32 $0xC35600, s30  }
.LBB2_7:
0xe: {  	_ =	swait.ge [sflag:s24], $0x2000  }
0xf: {  	[sflag:s24] =	ssyncset.done $0x0  }
0x10: {  	[sflag:s24] =	ssyncadd.s32 $0xFFFFE000  }
0x11: {  	_ =	swait.ge [sflag:s24], $0x2000  }
0x12: {  	[sflag:s24] =	ssyncset.done $0x0  }
0x13: {  	[sflag:s24] =	ssyncadd.s32 $0xFFFFE000  }
0x14: {  	_ =	swait.ge [sflag:s24], $0x2000  }
0x15: {  	[sflag:s24] =	ssyncset.done $0x0  }
0x16: {  	s25 =	sadd.s32 $0x1, s25;
	[sflag:s24] =	ssyncadd.s32 $0xFFFFE000  }
0x17: {  	p0 =	sne.s32 s25, s11;
	_ =	swait.ge [sflag:s24], $0x2000  }
.Ltmp1:
0x18: {  	[sflag:s24] =	ssyncset.done $0x0;
	(pc) =	sbr.rel @!p0 .LBB2_8-.Ltmp1, $4  }
0x19: {  	[sflag:s24] =	ssyncadd.s32 $0xFFFFE000  }
0x1a: {  	_ =	swait.ge [sflag:s24], $0x2000  }
0x1b: {  	[sflag:s24] =	ssyncset.done $0x0  }
0x1c: {  	[sflag:s24] =	ssyncadd.s32 $0xFFFFE000  }
.LBB2_1:
0x1d: {  	[tilespmem:s3], [sflag:$0x3] =	stream.linear.gather [hbm4b:s6+s3], $0x6400, $0x38;
	[tilespmem:$0x1A400] =	vst v63  }
0x1e: {  	_ =	swait.ge [sflag:s12], $0x6400  }
0x1f: {  	[sflag:s12] =	ssyncset.done $0x0  }
0x20: {  	s26 =	simm.s32 $0x0;
	[sflag:s12] =	ssyncadd.s32 $0xFFFF9C00  }
0x21: {  	v3 =	vld [tilespmem:s26+$0x0]  }
0x22: {  	v2 =	vld [tilespmem:s26+$0x10]  }
0x23: {  	s28 =	simm.s32 $0x200;
	v1 =	vld [tilespmem:s26+$0x20]  }
.LBB2_2:
0x24: {  	p0 =	sne.s32 s28, $0x18E00;
	v4 =	vld [tilespmem:s26+$0x30];
	_ =	sdelay $0x1  }
.Ltmp2:
0x25: {  	v3 =	vadd.s32 v0, v3;
	(pc) =	sbr.rel @p0 .LBB2_2-.Ltmp2, $4  }
0x26: {  	s29 =	sshra.s32 s28, $0x2;
	[tilespmem:s26+$0x0] =	vst v3;
	v2 =	vadd.s32 v0, v2  }
0x27: {  	v3 =	vld [tilespmem:s29+$0x0];
	[tilespmem:s26+$0x10] =	vst v2;
	v1 =	vadd.s32 v0, v1  }
0x28: {  	v2 =	vld [tilespmem:s29+$0x10];
	[tilespmem:s26+$0x20] =	vst v1;
	v4 =	vadd.s32 v0, v4  }
0x29: {  	s28 =	sadd.s32 $0x200, s28;
	v1 =	vld [tilespmem:s29+$0x20];
	[tilespmem:s26+$0x30] =	vst v4;
	s26 =	smov.u32 s29  }
0x2a: {  	v4 =	vld [tilespmem:s26+$0x30];
	_ =	sdelay $0x1  }
0x2b: {  	v3 =	vadd.s32 v0, v3  }
0x2c: {  	[tilespmem:s26+$0x0] =	vst v3;
	v2 =	vadd.s32 v0, v2  }
0x2d: {  	[tilespmem:s26+$0x10] =	vst v2;
	v1 =	vadd.s32 v0, v1  }
0x2e: {  	[tilespmem:s26+$0x20] =	vst v1;
	v1 =	vadd.s32 v0, v4  }
0x2f: {  	s28 =	simm.s32 $0x0;
	[tilespmem:s26+$0x30] =	vst v1  }
0x30: {  	[tilespmem:s14], [sflag:$0x1] =	stream.indirect.gather [hbm4b:s5+s13], $0x80, s28, s13, $0xb8;
	[tilespmem:$0x1A400] =	vst v63  }
0x31: {  	_ = 	snop  }
0x32: {  	[tilespmem:s16], [sflag:$0x1] =	stream.indirect.gather [hbm4b:s5+s13], $0x80, s15, s13, $0xb8;
	[tilespmem:$0x1A400] =	vst v63  }
0x33: {  	_ = 	snop  }
0x34: {  	[tilespmem:s18], [sflag:$0x1] =	stream.indirect.gather [hbm4b:s5+s13], $0x80, s17, s13, $0xb8;
	[tilespmem:$0x1A400] =	vst v63  }
.Ltmp3:
0x35: {  	_ = 	snop;
	(pc) =	sbr.rel .LBB2_4-.Ltmp3, $4  }
0x36: {  	_ = 	snop  }
0x37: {  	[tilespmem:s20], [sflag:$0x1] =	stream.indirect.gather [hbm4b:s5+s13], $0x80, s19, s13, $0xb8;
	[tilespmem:$0x1A400] =	vst v63  }
0x38: {  	_ = 	snop  }
0x39: {  	[tilespmem:s22], [sflag:$0x1] =	stream.indirect.gather [hbm4b:s5+s13], $0x80, s21, s13, $0xb8;
	[tilespmem:$0x1A400] =	vst v63  }
.LBB2_6:
0x3a: {  	s0 =	smul.u32 $0x140, s28  }
0x3b: {  	s1 =	smul.u32 $0x28000, s29  }
0x3c: {  	_ =	swait.ge [sflag:s23], $0x2000;
	s28 =	sadd.s32 s4, s0  }
0x3d: {  	[sflag:s23] =	ssyncset.done $0x0;
	s1 =	sshrl.u32 s1, $0x2;
	s28 =	sshll.u32 s28, $0x4  }
0x3e: {  	[sflag:s23] =	ssyncadd.s32 $0xFFFFE000;
	s30 =	sadd.s32 $0x6400, s1;
	s28 =	sadd.s32 s2, s28  }
0x3f: {  	[hbm4b:s28+s3] =	stream.linear.scatter [tilespmem:s30], [sflag:$0x2], $0x2000, $0x38;
	[tilespmem:$0x1A400] =	vst v63  }
0x40: {  	s28 =	sadd.s32 s0, s7;
	_ =	swait.ge [sflag:s23], $0x2000  }
0x41: {  	s28 =	sshll.u32 s28, $0x4;
	[sflag:s23] =	ssyncset.done $0x0  }
0x42: {  	s31 =	sadd.s32 $0x8400, s1;
	s28 =	sadd.s32 s2, s28;
	[sflag:s23] =	ssyncadd.s32 $0xFFFFE000  }
0x43: {  	[hbm4b:s28+s3] =	stream.linear.scatter [tilespmem:s31], [sflag:$0x2], $0x2000, $0x38;
	[tilespmem:$0x1A400] =	vst v63  }
0x44: {  	s28 =	sadd.s32 s0, s8;
	_ =	swait.ge [sflag:s23], $0x2000  }
0x45: {  	s28 =	sshll.u32 s28, $0x4;
	[sflag:s23] =	ssyncset.done $0x0  }
0x46: {  	s30 =	sadd.s32 $0xA400, s1;
	s28 =	sadd.s32 s2, s28;
	[sflag:s23] =	ssyncadd.s32 $0xFFFFE000  }
0x47: {  	[hbm4b:s28+s3] =	stream.linear.scatter [tilespmem:s30], [sflag:$0x2], $0x2000, $0x38;
	[tilespmem:$0x1A400] =	vst v63  }
0x48: {  	s28 =	sadd.s32 s0, s9;
	_ =	swait.ge [sflag:s23], $0x2000  }
0x49: {  	p0 =	slt.u32 s26, $0x28;
	s28 =	sshll.u32 s28, $0x4;
	[sflag:s23] =	ssyncset.done $0x0  }
0x4a: {  	s31 =	sadd.s32 $0xC400, s1;
	s28 =	sadd.s32 s2, s28;
	[sflag:s23] =	ssyncadd.s32 $0xFFFFE000  }
0x4b: {  	[hbm4b:s28+s3] =	stream.linear.scatter [tilespmem:s31], [sflag:$0x2], $0x2000, $0x38;
	[tilespmem:$0x1A400] =	vst v63  }
.Ltmp4:
0x4c: {  	_ = 	snop;
	(pc) =	sbr.rel @!p0 .LBB2_7-.Ltmp4, $4  }
0x4d: {  	s0 =	sadd.s32 s0, s10;
	_ =	swait.ge [sflag:s23], $0x2000  }
0x4e: {  	s1 =	sadd.s32 $0xE400, s1;
	s0 =	sshll.u32 s0, $0x4;
	[sflag:s23] =	ssyncset.done $0x0  }
0x4f: {  	s0 =	sadd.s32 s2, s0;
	s28 =	smov.u32 s26;
	[sflag:s23] =	ssyncadd.s32 $0xFFFFE000  }
0x50: {  	[hbm4b:s0+s3] =	stream.linear.scatter [tilespmem:s1], [sflag:$0x2], $0x2000, $0x38;
	[tilespmem:$0x1A400] =	vst v63  }
.LBB2_4:
0x51: {  	p0 =	seq.s32 s28, $0x0  }
0x52: {  	s26 =	simm.s32 @!p0 $0x2  }
0x53: {  	_ =	swait.ge @!p0 [sflag:s26], $0x2000  }
0x54: {  	[sflag:s26] =	ssyncset.done @!p0 $0x0  }
0x55: {  	[sflag:s26] =	ssyncadd.s32 @!p0 $0xFFFFE000  }
0x56: {  	_ =	swait.ge @!p0 [sflag:s26], $0x2000  }
0x57: {  	[sflag:s26] =	ssyncset.done @!p0 $0x0  }
0x58: {  	[sflag:s26] =	ssyncadd.s32 @!p0 $0xFFFFE000  }
0x59: {  	_ =	swait.ge @!p0 [sflag:s26], $0x2000  }
0x5a: {  	[sflag:s26] =	ssyncset.done @!p0 $0x0  }
0x5b: {  	p1 =	seq.s32 @!p0 s28, $0x27;
	[sflag:s26] =	ssyncadd.s32 @!p0 $0xFFFFE000  }
0x5c: {  	p1 =	por p0, !p1;
	_ =	swait.ge @!p0 [sflag:s26], $0x2000  }
.Ltmp5:
0x5d: {  	[sflag:s26] =	ssyncset.done @!p0 $0x0;
	(pc) =	sbr.rel @!p1 .LBB2_6-.Ltmp5, $4  }
0x5e: {  	[sflag:s26] =	ssyncadd.s32 @!p0 $0xFFFFE000  }
0x5f: {  	_ =	swait.ge @!p0 [sflag:s26], $0x2000  }
0x60: {  	[sflag:s26] =	ssyncset.done @!p0 $0x0  }
0x61: {  	s29 =	sand.u32 $0x1, s28;
	[sflag:s26] =	ssyncadd.s32 @!p0 $0xFFFFE000;
	s26 =	simm.s32 @!p0 $0x28  }
0x62: {  	s26 =	sadd.s32 @!p0 $0x1, s28;
	s30 =	sxor.u32 $0x1, s29  }
0x63: {  	s26 =	simm.s32 @p0 $0x1;
	s30 =	smul.u32 $0x28000, s30  }
0x64: {  	s31 =	smul.u32 $0xA00, s26  }
0x65: {  	s30 =	sshrl.u32 s30, $0x2  }
0x66: {  	s1 =	sadd.s32 $0x6400, s30;
	s31 =	sshra.s32 s31, $0x2  }
0x67: {  	[tilespmem:s1], [sflag:$0x1] =	stream.indirect.gather [hbm4b:s5+s13], $0x80, s31, s13, $0xb8;
	[tilespmem:$0x1A400] =	vst v63  }
0x68: {  	s1 =	sadd.s32 $0x8400, s30;
	s0 =	sadd.s32 $0x80, s31  }
0x69: {  	[tilespmem:s1], [sflag:$0x1] =	stream.indirect.gather [hbm4b:s5+s13], $0x80, s0, s13, $0xb8;
	[tilespmem:$0x1A400] =	vst v63  }
0x6a: {  	s0 =	sadd.s32 $0xA400, s30;
	s1 =	sadd.s32 $0x100, s31  }
0x6b: {  	[tilespmem:s0], [sflag:$0x1] =	stream.indirect.gather [hbm4b:s5+s13], $0x80, s1, s13, $0xb8;
	[tilespmem:$0x1A400] =	vst v63  }
.Ltmp6:
0x6c: {  	_ = 	snop;
	(pc) =	sbr.rel .LBB2_6-.Ltmp6, $4  }
0x6d: {  	s0 =	sadd.s32 $0xC400, s30;
	s1 =	sadd.s32 $0x180, s31  }
0x6e: {  	[tilespmem:s0], [sflag:$0x1] =	stream.indirect.gather [hbm4b:s5+s13], $0x80, s1, s13, $0xb8;
	[tilespmem:$0x1A400] =	vst v63  }
0x6f: {  	s30 =	sadd.s32 $0xE400, s30;
	s31 =	sadd.s32 $0x200, s31  }
0x70: {  	[tilespmem:s30], [sflag:$0x1] =	stream.indirect.gather [hbm4b:s5+s13], $0x80, s31, s13, $0xb8;
	[tilespmem:$0x1A400] =	vst v63  }
.LBB2_8:
0x71: {  	_ =	sfence.sel $0x180000  }
0x72: {  	[bflag:$0x0] =	sbarrier.arrive $0xFFFF  }
0x73: {  	_ =	strace $0x90000047  }
0x74: {  	s0 =	stileid.u32;
	[bflag:$0x2] =	sbarrier.arrive $0xFFFF  }
0x75: {  	p0 =	sne.s32 s0, $0x0;
	s0 =	rddreg [dreg:$0x2]  }
0x76: {  	s0 =	sadd.s32 @!p0 $0x100000, s0  }
0x77: {  	[sflag:s0] =	ssyncadd.tile.s32 @!p0 $0x1;
	_ =	shalt  }
.Lfunc_end2:
_tile_overlayer_lowered:
.L_overlay_start_2:
0x78: {  	(tag) =	ssettag $0x2  }
0x79: {  	s0 =	rddreg [dreg:$0x0];
	s2 =	stileid.u32  }
0x7a: {  	s1 =	rddreg [dreg:$0x1];
	p0 =	sne.s32 s2, $0x0  }
0x7b: {  	s3 =	rddreg [dreg:$0x2];
	[bflag:$0x3] =	sbarrier.arrive $0xFFFF;
	s2 =	simm.s32 @!p0 $0x1C03  }
0x7c: {  	[timem:s3], [sflag:s2] =	dma.local @!p0 [hbm:s0], s1  }
0x7d: {  	s0 =	simm.s32 @!p0 $0x3  }
0x7e: {  	_ =	swait.ge @!p0 [sflag:s0], s1  }
0x7f: {  	s1 =	ssub.s32 @!p0 $0x0, s1;
	[sflag:s0] =	ssyncset.done @!p0 $0x0  }
0x80: {  	[sflag:s0] =	ssyncadd.s32 @!p0 s1  }
0x81: {  	[bflag:$0x3] =	sbarrier.arrive $0xFFFF  }
0x82: {  	_ =	shalt  }

</sc_bundles>
